<compile_context>
chip_gen: v7x
topology: tpu7x:2x2x1
jax: 0.10.2.dev20260603
libtpu: 0.0.44.dev20260713+nightly
codegen_flags: <defaults>
</compile_context>

<pallas_src>
import functools

import jax
import jax.numpy as jnp
from jax import lax
from jax.experimental import pallas as pl
from jax.experimental.pallas import tpu as pltpu
from jax.experimental.pallas import tpu_sc as plsc

_C = 8
_M = 5000
_MP = 5120
_RT = 256
_CB = 512
_NT = _MP // _RT
_NB = _MP // _CB
_SCORE_T = 0.8
_IOU_T = 0.5
_MAXDET = 300
_BIGI = 2**30
_INF = float("inf")


def _heads_body(score_r, xmin_r, ymin_r, xmax_r, ymax_r,
                score_c, xmin_c, ymin_c, xmax_c, ymax_c, out):
    t = pl.program_id(1)
    rs = score_r[0, 0, :]
    rxm = xmin_r[0, 0, :]
    rym = ymin_r[0, 0, :]
    rxM = xmax_r[0, 0, :]
    ryM = ymax_r[0, 0, :]
    area_i = (rxM - rxm + 1.0) * (ryM - rym + 1.0)
    nb = (t * _RT + _RT + _CB - 1) // _CB

    def cond(carry):
        b, acc = carry
        return (b < nb) & (jnp.max(acc) == _BIGI)

    def body(carry):
        b, acc = carry
        sl = pl.ds(b * _CB, _CB)
        cs = score_c[sl, :]
        cxm = xmin_c[sl, :]
        cym = ymin_c[sl, :]
        cxM = xmax_c[sl, :]
        cyM = ymax_c[sl, :]
        x1 = jnp.maximum(cxm, rxm)
        y1 = jnp.maximum(cym, rym)
        x2 = jnp.minimum(cxM, rxM)
        y2 = jnp.minimum(cyM, ryM)
        wid = x2 - x1 + 1.0
        hei = y2 - y1 + 1.0
        inter = wid * hei
        area_j = (cxM - cxm + 1.0) * (cyM - cym + 1.0)
        den = area_j + area_i - inter
        ov = jnp.where(den == 0.0, 0.0, inter / jnp.where(den == 0.0, 1.0, den))
        ov = jnp.where(wid <= 0.0, 0.0, ov)
        ov = jnp.where(hei <= 0.0, 0.0, ov)
        ind = (ov > _IOU_T) & (cs > _SCORE_T)
        jv = lax.broadcasted_iota(jnp.int32, (_CB, _RT), 0) + b * _CB
        cand = jnp.where(ind, jv, _BIGI)
        return b + 1, jnp.minimum(acc, jnp.min(cand, axis=0))

    acc0 = jnp.where(rs > _SCORE_T, _BIGI, -2).astype(jnp.int32)
    _, acc = lax.while_loop(cond, body, (jnp.int32(0), acc0))
    out[0, 0, :] = jnp.where(rs > _SCORE_T, acc, -1)


def _ins3(ak1, aj1, ak2, aj2, ak3, aj3, k, j):
    lt1 = k < ak1
    lt2 = k < ak2
    lt3 = k < ak3
    nk3 = jnp.where(lt3, jnp.where(lt2, ak2, k), ak3)
    nj3 = jnp.where(lt3, jnp.where(lt2, aj2, j), aj3)
    nk2 = jnp.where(lt2, jnp.where(lt1, ak1, k), ak2)
    nj2 = jnp.where(lt2, jnp.where(lt1, aj1, j), aj2)
    nk1 = jnp.where(lt1, k, ak1)
    nj1 = jnp.where(lt1, j, aj1)
    return nk1, nj1, nk2, nj2, nk3, nj3


def _select_body(score_r, head_c, cg_c, cnt, nnz_s, blist_s,
                 j1o, j2o, j3o, s1o, s2o, s3o, keepo):
    c = pl.program_id(0)
    t = pl.program_id(1)
    rs = score_r[0, 0, :]

    def body(k, carry):
        b = blist_s[c, t, k]
        ak1, aj1, ak2, aj2, ak3, aj3 = carry
        sl = pl.ds(b * _CB, _CB)
        hd = head_c[sl, :]
        cg = cg_c[sl, :]
        iv = lax.broadcasted_iota(jnp.int32, (_CB, _RT), 1) + t * _RT
        elig = (hd == iv) & (cg != 0.0)
        key = jnp.where(elig, cg, _INF)
        rv = lax.broadcasted_iota(jnp.int32, (_CB, _RT), 0) + b * _CB
        k1 = jnp.min(key, axis=0)
        j1 = jnp.min(jnp.where(key == k1, rv, _BIGI), axis=0)
        key = jnp.where(rv == j1, _INF, key)
        k2 = jnp.min(key, axis=0)
        j2 = jnp.min(jnp.where(key == k2, rv, _BIGI), axis=0)
        key = jnp.where(rv == j2, _INF, key)
        k3 = jnp.min(key, axis=0)
        j3 = jnp.min(jnp.where(key == k3, rv, _BIGI), axis=0)
        acc3 = _ins3(ak1, aj1, ak2, aj2, ak3, aj3, k1, j1)
        acc3 = _ins3(*acc3, k2, j2)
        acc3 = _ins3(*acc3, k3, j3)
        return acc3

    init = (jnp.full((_RT,), _INF, jnp.float32), jnp.full((_RT,), _BIGI, jnp.int32),
            jnp.full((_RT,), _INF, jnp.float32), jnp.full((_RT,), _BIGI, jnp.int32),
            jnp.full((_RT,), _INF, jnp.float32), jnp.full((_RT,), _BIGI, jnp.int32))
    ak1, aj1, ak2, aj2, ak3, aj3 = lax.fori_loop(0, nnz_s[c, t], body, init)

    count = cnt[0, 0]
    repeats = jnp.minimum(3, count)
    s1 = (ak1 < _INF) & (repeats >= 1)
    s2 = (ak2 < _INF) & (repeats >= 2)
    s3 = (ak3 < _INF) & (repeats >= 3)
    den = s1.astype(jnp.int32) + s2.astype(jnp.int32) + s3.astype(jnp.int32)
    keep = (rs > _SCORE_T) & (den > 0)
    j1o[0, 0, :] = jnp.where(s1, aj1, 0)
    j2o[0, 0, :] = jnp.where(s2, aj2, 0)
    j3o[0, 0, :] = jnp.where(s3, aj3, 0)
    s1o[0, 0, :] = s1.astype(jnp.int32)
    s2o[0, 0, :] = s2.astype(jnp.int32)
    s3o[0, 0, :] = s3.astype(jnp.int32)
    keepo[0, 0, :] = keep.astype(jnp.int32)


_CH = _MP // 4
_TAB = _M * 12


def _sc_posemean_body(pos_hbm, j1h, j2h, j3h, s1h, s2h, s3h, out_hbm,
                      tab_v, j1v, j2v, j3v, s1v, s2v, s3v, out_v):
    wid = lax.axis_index("s") * 2 + lax.axis_index("c")
    c = wid // 4
    q = wid % 4
    base = c * _MP + q * _CH
    pltpu.sync_copy(pos_hbm.at[pl.ds(c * _TAB, _TAB)], tab_v)
    pltpu.sync_copy(j1h.at[pl.ds(base, _CH)], j1v)
    pltpu.sync_copy(j2h.at[pl.ds(base, _CH)], j2v)
    pltpu.sync_copy(j3h.at[pl.ds(base, _CH)], j3v)
    pltpu.sync_copy(s1h.at[pl.ds(base, _CH)], s1v)
    pltpu.sync_copy(s2h.at[pl.ds(base, _CH)], s2v)
    pltpu.sync_copy(s3h.at[pl.ds(base, _CH)], s3v)

    lane = lax.iota(jnp.int32, 16)

    def body(g, carry):
        sl = pl.ds(g * 16, 16)
        jv1 = j1v[sl] * 12
        jv2 = j2v[sl] * 12
        jv3 = j3v[sl] * 12
        sv1 = s1v[sl]
        sv2 = s2v[sl]
        sv3 = s3v[sl]
        den = sv1 + sv2 + sv3
        rden = jnp.where(den == 0.0, 1.0, den)
        zero = den == 0.0
        lv = (g * 16 + lane) * 12
        for d in range(12):
            p1 = plsc.load_gather(tab_v, [jv1 + d])
            p2 = plsc.load_gather(tab_v, [jv2 + d])
            p3 = plsc.load_gather(tab_v, [jv3 + d])
            p = (p1 * sv1 + p2 * sv2 + p3 * sv3) / rden
            p = jnp.where(zero, 0.0, p)
            plsc.store_scatter(out_v, [lv + d], p)
        return carry

    lax.fori_loop(0, _CH // 16, body, 0)
    pltpu.sync_copy(out_v, out_hbm.at[pl.ds(base * 12, _CH * 12)])


@functools.partial(
    pl.kernel,
    out_type=jax.ShapeDtypeStruct((_C * _MP * 12,), jnp.float32),
    mesh=plsc.VectorSubcoreMesh(core_axis_name="c", subcore_axis_name="s"),
    compiler_params=pltpu.CompilerParams(needs_layout_passes=False),
    scratch_types=[
        pltpu.VMEM((_TAB,), jnp.float32),
        pltpu.VMEM((_CH,), jnp.int32),
        pltpu.VMEM((_CH,), jnp.int32),
        pltpu.VMEM((_CH,), jnp.int32),
        pltpu.VMEM((_CH,), jnp.float32),
        pltpu.VMEM((_CH,), jnp.float32),
        pltpu.VMEM((_CH,), jnp.float32),
        pltpu.VMEM((_CH * 12,), jnp.float32),
    ],
)
def _sc_posemean(pos_hbm, j1h, j2h, j3h, s1h, s2h, s3h, out_hbm,
                 tab_v, j1v, j2v, j3v, s1v, s2v, s3v, out_v):
    _sc_posemean_body(pos_hbm, j1h, j2h, j3h, s1h, s2h, s3h, out_hbm,
                      tab_v, j1v, j2v, j3v, s1v, s2v, s3v, out_v)


def _tile3(spec_kind):
    return pl.BlockSpec((1, 1, _RT), lambda c, t: (c * _NT + t, 0, 0))


def _col_spec(shape):
    return pl.BlockSpec(shape, lambda c, t: (c, 0, 0))


def _r3(x):
    return x.reshape(_C * _NT, 1, _RT)


def kernel(boxes3D, classification, poses, confidence):
    M, C = _M, _C
    cls = classification.reshape(M, C)
    b3 = boxes3D.reshape(M, C, 16)
    pos = poses.reshape(M, C, 12)
    cf = confidence.reshape(M, C)

    scores_t = jnp.full((C, _MP), -1.0, jnp.float32).at[:, :M].set(cls.T)
    ev = b3[:, :, 0::2]
    od = b3[:, :, 1::2]
    pad = jnp.zeros((C, _MP - M), jnp.float32)

    def padt(x):
        return jnp.concatenate([x.T, pad], axis=1)

    xmin = padt(jnp.min(ev, axis=2))
    ymin = padt(jnp.min(od, axis=2))
    xmax = padt(jnp.max(ev, axis=2))
    ymax = padt(jnp.max(od, axis=2))
    cg = padt(cf)
    counts = jnp.sum(cls > _SCORE_T, axis=0).astype(jnp.int32)

    col = lambda x: x[:, :, None]
    rows = _r3

    grid = (C, _NT)
    heads = pl.pallas_call(
        _heads_body,
        grid=grid,
        in_specs=[_tile3("r")] * 5 + [_col_spec((None, _MP, 1))] * 5,
        out_specs=_tile3("o"),
        out_shape=jax.ShapeDtypeStruct((C * _NT, 1, _RT), jnp.int32),
    )(rows(scores_t), rows(xmin), rows(ymin), rows(xmax), rows(ymax),
      col(scores_t), col(xmin), col(ymin), col(xmax), col(ymax))

    head_c = heads.reshape(C, _MP)

    t_of = head_c >> 8
    t_blocks = t_of.reshape(C, _NB, _CB)
    hist = jnp.sum(t_blocks[:, :, :, None] == jnp.arange(_NT)[None, None, None, :],
                   axis=2)
    mask_b = (hist > 0).transpose(0, 2, 1)
    nnz = jnp.sum(mask_b, axis=2).astype(jnp.int32)
    blist = jnp.sort(jnp.where(mask_b, jnp.arange(_NB)[None, None, :], _NB),
                     axis=2).astype(jnp.int32)

    outs3 = [jax.ShapeDtypeStruct((C * _NT, 1, _RT), jnp.int32)] * 7
    sel = pl.pallas_call(
        _select_body,
        grid=grid,
        in_specs=[_tile3("r"), _col_spec((None, _MP, 1)), _col_spec((None, _MP, 1)),
                  pl.BlockSpec((None, 1, 1), lambda c, t: (c, 0, 0)),
                  pl.BlockSpec(memory_space=pltpu.SMEM),
                  pl.BlockSpec(memory_space=pltpu.SMEM)],
        out_specs=[_tile3("o")] * 7,
        out_shape=outs3,
    )(rows(scores_t), col(head_c), col(cg), counts.reshape(C, 1, 1), nnz, blist)
    j1, j2, j3, s1, s2, s3, keep = [x.reshape(C, _MP) for x in sel]
    keep = keep[:, :M]

    pos_flat = pos.transpose(1, 0, 2).reshape(-1)
    sf = lambda x: x.astype(jnp.float32).reshape(-1)
    pout = _sc_posemean(pos_flat,
                        j1.reshape(-1), j2.reshape(-1), j3.reshape(-1),
                        sf(s1), sf(s2), sf(s3))
    pout = pout.reshape(C, _MP, 12)[:, :M]

    kb = keep.astype(jnp.bool_)
    keep_all = jnp.concatenate([kb, (counts == 0)[:, None]], axis=1)
    sc = jnp.where(kb, cls.T[:, :M], -jnp.inf)
    sent_sc = jnp.full((C, 1), cls[M - 1, C - 1], jnp.float32)
    scores_all = jnp.concatenate([jnp.where(keep_all[:, :M], sc, -jnp.inf), sent_sc], axis=1)
    lab = jnp.broadcast_to(jnp.arange(C, dtype=jnp.int32)[:, None], (C, M))
    labels_all = jnp.concatenate([lab, jnp.full((C, 1), -1, jnp.int32)], axis=1)
    idxv = jnp.broadcast_to(jnp.arange(M, dtype=jnp.int32)[None, :], (C, M))
    idx_all = jnp.concatenate([idxv, jnp.full((C, 1), -1, jnp.int32)], axis=1)
    poses_all = jnp.concatenate([pout, jnp.full((C, 1, 12), -1.0, jnp.float32)], axis=1)

    keep_f = keep_all.reshape(-1)
    scores_f = scores_all.reshape(-1)
    labels_f = labels_all.reshape(-1)
    idx_f = idx_all.reshape(-1)
    poses_f = poses_all.reshape(-1, 12)

    kint = keep_f.astype(jnp.int32)
    total = jnp.sum(kint)
    masked = jnp.where(keep_f, scores_f, -jnp.inf)
    top, _ = lax.top_k(masked, _MAXDET)
    scores_out = jnp.where(jnp.arange(_MAXDET) < total, top, -1.0)
    rank = jnp.cumsum(kint) - kint
    slot = jnp.where(keep_f, rank, _MAXDET)
    labels_out = jnp.full((_MAXDET,), -1, jnp.int32).at[slot].set(labels_f, mode='drop')
    idx_out = jnp.full((_MAXDET,), -1, jnp.int32).at[slot].set(idx_f, mode='drop')
    poses_out = jnp.full((_MAXDET, 12), -1.0, jnp.float32).at[slot].set(poses_f, mode='drop')
    return scores_out, labels_out, poses_out, idx_out

# --- scband reference (transcript-rebuilt; emitter-appended) ---
"""Pipeline reference for scband-filter-detections-1554778161626 (READ-ONLY COPY).

The authoritative reference and input builder live on the scoring server;
editing this copy changes nothing except your own understanding.
"""

import jax, jax.numpy as jnp
import numpy as np

NUM_CLASSES = 8
SCORE_THRESHOLD = 0.8
IOU_THRESHOLD = 0.5
POSE_HYPS = 3
MAX_DETECTIONS = 300
B, N = 1, 5000


def setup_inputs(seed: int = 0):
    key = jax.random.key(seed)
    k1, k2, k3, k4 = jax.random.split(key, 4)
    return {
        "boxes3D": jax.random.normal(k1, (B, N, NUM_CLASSES * 16), dtype=jnp.float32),
        "classification": jax.random.uniform(k2, (B, N, NUM_CLASSES), dtype=jnp.float32),
        "poses": jax.random.normal(k3, (B, N, NUM_CLASSES * 12), dtype=jnp.float32),
        "confidence": jax.random.uniform(k4, (B, N, NUM_CLASSES), dtype=jnp.float32),
    }


def _boxoverlap(boxes, valid):
    K = boxes.shape[0]
    a = jnp.broadcast_to(boxes[None, :, :], (K, K, 4))
    b = jnp.transpose(a, (1, 0, 2))
    x1 = jnp.maximum(a[:, :, 0], b[:, :, 0])
    y1 = jnp.maximum(a[:, :, 1], b[:, :, 1])
    x2 = jnp.minimum(a[:, :, 2], b[:, :, 2])
    y2 = jnp.minimum(a[:, :, 3], b[:, :, 3])
    wid = x2 - x1 + 1.0
    hei = y2 - y1 + 1.0
    inter = wid * hei
    aarea = (a[:, :, 2] - a[:, :, 0] + 1.0) * (a[:, :, 3] - a[:, :, 1] + 1.0)
    barea = (b[:, :, 2] - b[:, :, 0] + 1.0) * (b[:, :, 3] - b[:, :, 1] + 1.0)
    den = aarea + barea - inter
    ovlap = jnp.where(den == 0.0, 0.0, inter / jnp.where(den == 0.0, 1.0, den))
    ovlap = jnp.where(wid <= 0.0, 0.0, ovlap)
    ovlap = jnp.where(hei <= 0.0, 0.0, ovlap)
    indicator = jnp.where(ovlap > IOU_THRESHOLD, 1.0, 0.0)
    vmask = valid.astype(jnp.float32)
    indicator = indicator * vmask[:, None] * vmask[None, :]
    max_col = jnp.argmax(indicator, axis=1)
    rows = jnp.arange(K)
    value_updates = jnp.max(indicator, axis=1)
    return jnp.zeros((K, K), jnp.float32).at[max_col, rows].add(value_updates)


def _filter_class(idx0, c, boxes3D_c, poses_c, conf_c, valid, count):
    bx = boxes3D_c[idx0]
    pg = poses_c[idx0]
    cg = conf_c[idx0]
    x_min = jnp.min(bx[:, ::2], axis=1)
    y_min = jnp.min(bx[:, 1::2], axis=1)
    x_max = jnp.max(bx[:, ::2], axis=1)
    y_max = jnp.max(bx[:, 1::2], axis=1)
    boxes = jnp.stack([x_min, y_min, x_max, y_max], axis=1)
    ov = _boxoverlap(boxes, valid)
    bc = ov * cg[None, :]
    bc = jnp.where(bc == 0.0, 1000.0, bc)
    sort_args = jnp.argsort(bc, axis=1)
    sort_conf = jnp.sort(bc, axis=1)
    conf_mask = jnp.where(sort_conf == 1000.0, 0.0, 1.0)
    K = int(idx0.shape[0])
    repeats = jnp.minimum(POSE_HYPS, count)
    n_hyps = jnp.broadcast_to((jnp.arange(K)[None, :] < repeats).astype(jnp.float32), (K, K))
    conf_mask = conf_mask * n_hyps
    conf_mask3 = jnp.broadcast_to(conf_mask[:, :, None], (K, K, 12))
    sorted_poses = pg[sort_args]
    filt = conf_mask3 * sorted_poses
    den = jnp.sum(conf_mask3, axis=1)
    meanp = jnp.sum(filt, axis=1)
    pout = jnp.where(den == 0.0, 0.0, meanp / jnp.where(den == 0.0, 1.0, den))
    keep = valid & (jnp.max(den, axis=1) != 0.0)
    idx2 = jnp.stack([idx0, jnp.full_like(idx0, c)], axis=1)
    return idx2, pout, keep


def reference(boxes3D, classification, poses, confidence):
    M = boxes3D.shape[0] * boxes3D.shape[1]
    cls = classification.reshape(M, NUM_CLASSES)
    b3 = boxes3D.reshape(M, NUM_CLASSES, 16)
    pos = poses.reshape(M, NUM_CLASSES, 12)
    cf = confidence.reshape(M, NUM_CLASSES)
    all_idx, all_poses, all_keep = [], [], []
    for c in range(NUM_CLASSES):
        scores_c = cls[:, c]
        mask_c = scores_c > SCORE_THRESHOLD
        count = jnp.sum(mask_c).astype(jnp.int32)
        idx0 = jnp.nonzero(mask_c, size=M, fill_value=0)[0]
        valid = jnp.arange(M) < count
        idx2, p, keep = _filter_class(idx0, c, b3[:, c, :], pos[:, c, :], cf[:, c], valid, count)
        idx2 = jnp.concatenate([idx2.astype(jnp.int32), -jnp.ones((1, 2), jnp.int32)], axis=0)
        p = jnp.concatenate([p, -jnp.ones((1, 12), jnp.float32)], axis=0)
        keep = jnp.concatenate([keep, (count == 0)[None]], axis=0)
        all_idx.append(idx2)
        all_poses.append(p)
        all_keep.append(keep)
    indices = jnp.concatenate(all_idx, axis=0)
    poses_cat = jnp.concatenate(all_poses, axis=0)
    keep_all = jnp.concatenate(all_keep, axis=0)
    scores = cls[indices[:, 0], indices[:, 1]]
    labels = indices[:, 1]
    idx_src = indices[:, 0]
    kint = keep_all.astype(jnp.int32)
    total = jnp.sum(kint)
    masked = jnp.where(keep_all, scores, -jnp.inf)
    top, _ = jax.lax.top_k(masked, MAX_DETECTIONS)
    scores = jnp.where(jnp.arange(MAX_DETECTIONS) < total, top, -1.0)
    rank = jnp.cumsum(kint) - kint
    slot = jnp.where(keep_all, rank, MAX_DETECTIONS)
    labels = jnp.full((MAX_DETECTIONS,), -1, jnp.int32).at[slot].set(labels, mode='drop')
    idx_out = jnp.full((MAX_DETECTIONS,), -1, jnp.int32).at[slot].set(idx_src, mode='drop')
    poses_cat = jnp.full((MAX_DETECTIONS, 12), -1.0, jnp.float32).at[slot].set(poses_cat, mode='drop')
    return scores, labels, poses_cat, idx_out

if __name__ == "__main__":
    import jax
    _d = setup_inputs()
    print(jax.jit(kernel)(*tuple(_d.values())))

</pallas_src>

<mosaic_0001>
#map = affine_map<(d0, d1) -> (0)>
module attributes {stable_mosaic.version = 14 : i64} {
  func.func @_sc_posemean(%arg0: i32, %arg1: i32, %arg2: memref<480000xf32, #tpu.memory_space<hbm>>, %arg3: memref<40960xi32, #tpu.memory_space<hbm>>, %arg4: memref<40960xi32, #tpu.memory_space<hbm>>, %arg5: memref<40960xi32, #tpu.memory_space<hbm>>, %arg6: memref<40960xf32, #tpu.memory_space<hbm>>, %arg7: memref<40960xf32, #tpu.memory_space<hbm>>, %arg8: memref<40960xf32, #tpu.memory_space<hbm>>, %arg9: memref<491520xf32, #tpu.memory_space<hbm>>, %arg10: memref<60000xf32, #tpu.memory_space<vmem>>, %arg11: memref<1280xi32, #tpu.memory_space<vmem>>, %arg12: memref<1280xi32, #tpu.memory_space<vmem>>, %arg13: memref<1280xi32, #tpu.memory_space<vmem>>, %arg14: memref<1280xf32, #tpu.memory_space<vmem>>, %arg15: memref<1280xf32, #tpu.memory_space<vmem>>, %arg16: memref<1280xf32, #tpu.memory_space<vmem>>, %arg17: memref<15360xf32, #tpu.memory_space<vmem>>) attributes {dimension_semantics = [#tpu.dimension_semantics<core_parallel>, #tpu.dimension_semantics<subcore_parallel>], iteration_bounds = array<i64: 2, 16>, scalar_prefetch = 0 : i64, scratch_operands = 8 : i64, tpu.core_type = #tpu.core_type<sc_vector_subcore>, window_params = [{transform_indices = #map}, {transform_indices = #map}, {transform_indices = #map}, {transform_indices = #map}, {transform_indices = #map}, {transform_indices = #map}, {transform_indices = #map}, {transform_indices = #map}]} {
    %mul3A = arith.constant 2 : i32
    %mul3A_0 = arith.muli %arg1, %mul3A : i32
    %add3A = arith.addi %mul3A_0, %arg0 : i32
    %jit3A = arith.constant 4 : i32
    %div3A = arith.divsi %add3A, %jit3A : i32
    %sign3A = arith.constant 0 : i32
    %sign3A_1 = arith.cmpi sgt, %add3A, %sign3A : i32
    %sign3A_2 = arith.extui %sign3A_1 : i1 to i32
    %sign3A_3 = arith.constant 0 : i32
    %sign3A_4 = arith.cmpi slt, %add3A, %sign3A_3 : i32
    %sign3A_5 = arith.extui %sign3A_4 : i1 to i32
    %sign3A_6 = arith.subi %sign3A_2, %sign3A_5 : i32
    %sign3A_7 = arith.constant 0 : i32
    %sign3A_8 = arith.cmpi sgt, %jit3A, %sign3A_7 : i32
    %sign3A_9 = arith.extui %sign3A_8 : i1 to i32
    %sign3A_10 = arith.constant 0 : i32
    %sign3A_11 = arith.cmpi slt, %jit3A, %sign3A_10 : i32
    %sign3A_12 = arith.extui %sign3A_11 : i1 to i32
    %sign3A_13 = arith.subi %sign3A_9, %sign3A_12 : i32
    %ne3A = arith.cmpi ne, %sign3A_6, %sign3A_13 : i32
    %rem3A = arith.remsi %add3A, %jit3A : i32
    %ne3A_14 = arith.constant 0 : i32
    %ne3A_15 = arith.cmpi ne, %rem3A, %ne3A_14 : i32
    %and3A = arith.andi %ne3A, %ne3A_15 : i1
    %sub3A = arith.constant 1 : i32
    %sub3A_16 = arith.subi %div3A, %sub3A : i32
    %select_n3A = arith.select %and3A, %sub3A_16, %div3A : i32
    %jit3A_17 = arith.constant 4 : i32
    %eq3A = arith.constant 0 : i32
    %eq3A_18 = arith.cmpi eq, %jit3A_17, %eq3A : i32
    %jit3A_19 = arith.constant 1 : i32
    %select_n3A_20 = arith.select %eq3A_18, %jit3A_19, %jit3A_17 : i32
    %rem3A_21 = arith.remsi %add3A, %select_n3A_20 : i32
    %ne3A_22 = arith.constant 0 : i32
    %ne3A_23 = arith.cmpi ne, %rem3A_21, %ne3A_22 : i32
    %lt3A = arith.constant 0 : i32
    %lt3A_24 = arith.cmpi slt, %rem3A_21, %lt3A : i32
    %lt3A_25 = arith.constant 0 : i32
    %lt3A_26 = arith.cmpi slt, %select_n3A_20, %lt3A_25 : i32
    %ne3A_27 = arith.xori %lt3A_24, %lt3A_26 : i1
    %and3A_28 = arith.andi %ne3A_27, %ne3A_23 : i1
    %add3A_29 = arith.addi %rem3A_21, %select_n3A_20 : i32
    %select_n3A_30 = arith.select %and3A_28, %add3A_29, %rem3A_21 : i32
    %mul3A_31 = arith.constant 5120 : i32
    %mul3A_32 = arith.muli %select_n3A, %mul3A_31 : i32
    %mul3A_33 = arith.constant 1280 : i32
    %mul3A_34 = arith.muli %select_n3A_30, %mul3A_33 : i32
    %add3A_35 = arith.addi %mul3A_32, %mul3A_34 : i32
    %mul3A_36 = arith.constant 60000 : i32
    %mul3A_37 = arith.muli %select_n3A, %mul3A_36 : i32
    "tpu.region"() ({
      %run_scoped3A = tpu.sem_alloc : memref<!tpu.dma_semaphore, #tpu.memory_space<semaphore_mem>>
      %dma_start3A = tpu.memref_slice %arg2[%mul3A_37] : memref<480000xf32, #tpu.memory_space<hbm>> -> memref<60000xf32, #tpu.memory_space<hbm>>
      %dma_start3A_45 = tpu.memref_slice %arg2[%mul3A_37] : memref<480000xf32, #tpu.memory_space<hbm>> -> memref<60000xf32, #tpu.memory_space<hbm>>
      tpu.enqueue_dma source(%dma_start3A_45 : memref<60000xf32, #tpu.memory_space<hbm>>) target(%arg10 : memref<60000xf32, #tpu.memory_space<vmem>>) target_semaphore(%run_scoped3A : memref<!tpu.dma_semaphore, #tpu.memory_space<semaphore_mem>>)
      %dma_wait3A = tpu.memref_slice %arg2[%mul3A_37] : memref<480000xf32, #tpu.memory_space<hbm>> -> memref<60000xf32, #tpu.memory_space<hbm>>
      %dma_wait3A_46 = tpu.memref_slice %arg2[%mul3A_37] : memref<480000xf32, #tpu.memory_space<hbm>> -> memref<60000xf32, #tpu.memory_space<hbm>>
      tpu.wait_dma2 semaphore(%run_scoped3A : memref<!tpu.dma_semaphore, #tpu.memory_space<semaphore_mem>>) src(%dma_wait3A_46 : memref<60000xf32, #tpu.memory_space<hbm>>) dst(%arg10 : memref<60000xf32, #tpu.memory_space<vmem>>)
      tpu.yield
    }) : () -> ()
    "tpu.region"() ({
      %run_scoped3A = tpu.sem_alloc : memref<!tpu.dma_semaphore, #tpu.memory_space<semaphore_mem>>
      %dma_start3A = tpu.memref_slice %arg3[%add3A_35] : memref<40960xi32, #tpu.memory_space<hbm>> -> memref<1280xi32, #tpu.memory_space<hbm>>
      %dma_start3A_45 = tpu.memref_slice %arg3[%add3A_35] : memref<40960xi32, #tpu.memory_space<hbm>> -> memref<1280xi32, #tpu.memory_space<hbm>>
      tpu.enqueue_dma source(%dma_start3A_45 : memref<1280xi32, #tpu.memory_space<hbm>>) target(%arg11 : memref<1280xi32, #tpu.memory_space<vmem>>) target_semaphore(%run_scoped3A : memref<!tpu.dma_semaphore, #tpu.memory_space<semaphore_mem>>)
      %dma_wait3A = tpu.memref_slice %arg3[%add3A_35] : memref<40960xi32, #tpu.memory_space<hbm>> -> memref<1280xi32, #tpu.memory_space<hbm>>
      %dma_wait3A_46 = tpu.memref_slice %arg3[%add3A_35] : memref<40960xi32, #tpu.memory_space<hbm>> -> memref<1280xi32, #tpu.memory_space<hbm>>
      tpu.wait_dma2 semaphore(%run_scoped3A : memref<!tpu.dma_semaphore, #tpu.memory_space<semaphore_mem>>) src(%dma_wait3A_46 : memref<1280xi32, #tpu.memory_space<hbm>>) dst(%arg11 : memref<1280xi32, #tpu.memory_space<vmem>>)
      tpu.yield
    }) : () -> ()
    "tpu.region"() ({
      %run_scoped3A = tpu.sem_alloc : memref<!tpu.dma_semaphore, #tpu.memory_space<semaphore_mem>>
      %dma_start3A = tpu.memref_slice %arg4[%add3A_35] : memref<40960xi32, #tpu.memory_space<hbm>> -> memref<1280xi32, #tpu.memory_space<hbm>>
      %dma_start3A_45 = tpu.memref_slice %arg4[%add3A_35] : memref<40960xi32, #tpu.memory_space<hbm>> -> memref<1280xi32, #tpu.memory_space<hbm>>
      tpu.enqueue_dma source(%dma_start3A_45 : memref<1280xi32, #tpu.memory_space<hbm>>) target(%arg12 : memref<1280xi32, #tpu.memory_space<vmem>>) target_semaphore(%run_scoped3A : memref<!tpu.dma_semaphore, #tpu.memory_space<semaphore_mem>>)
      %dma_wait3A = tpu.memref_slice %arg4[%add3A_35] : memref<40960xi32, #tpu.memory_space<hbm>> -> memref<1280xi32, #tpu.memory_space<hbm>>
      %dma_wait3A_46 = tpu.memref_slice %arg4[%add3A_35] : memref<40960xi32, #tpu.memory_space<hbm>> -> memref<1280xi32, #tpu.memory_space<hbm>>
      tpu.wait_dma2 semaphore(%run_scoped3A : memref<!tpu.dma_semaphore, #tpu.memory_space<semaphore_mem>>) src(%dma_wait3A_46 : memref<1280xi32, #tpu.memory_space<hbm>>) dst(%arg12 : memref<1280xi32, #tpu.memory_space<vmem>>)
      tpu.yield
    }) : () -> ()
    "tpu.region"() ({
      %run_scoped3A = tpu.sem_alloc : memref<!tpu.dma_semaphore, #tpu.memory_space<semaphore_mem>>
      %dma_start3A = tpu.memref_slice %arg5[%add3A_35] : memref<40960xi32, #tpu.memory_space<hbm>> -> memref<1280xi32, #tpu.memory_space<hbm>>
      %dma_start3A_45 = tpu.memref_slice %arg5[%add3A_35] : memref<40960xi32, #tpu.memory_space<hbm>> -> memref<1280xi32, #tpu.memory_space<hbm>>
      tpu.enqueue_dma source(%dma_start3A_45 : memref<1280xi32, #tpu.memory_space<hbm>>) target(%arg13 : memref<1280xi32, #tpu.memory_space<vmem>>) target_semaphore(%run_scoped3A : memref<!tpu.dma_semaphore, #tpu.memory_space<semaphore_mem>>)
      %dma_wait3A = tpu.memref_slice %arg5[%add3A_35] : memref<40960xi32, #tpu.memory_space<hbm>> -> memref<1280xi32, #tpu.memory_space<hbm>>
      %dma_wait3A_46 = tpu.memref_slice %arg5[%add3A_35] : memref<40960xi32, #tpu.memory_space<hbm>> -> memref<1280xi32, #tpu.memory_space<hbm>>
      tpu.wait_dma2 semaphore(%run_scoped3A : memref<!tpu.dma_semaphore, #tpu.memory_space<semaphore_mem>>) src(%dma_wait3A_46 : memref<1280xi32, #tpu.memory_space<hbm>>) dst(%arg13 : memref<1280xi32, #tpu.memory_space<vmem>>)
      tpu.yield
    }) : () -> ()
    "tpu.region"() ({
      %run_scoped3A = tpu.sem_alloc : memref<!tpu.dma_semaphore, #tpu.memory_space<semaphore_mem>>
      %dma_start3A = tpu.memref_slice %arg6[%add3A_35] : memref<40960xf32, #tpu.memory_space<hbm>> -> memref<1280xf32, #tpu.memory_space<hbm>>
      %dma_start3A_45 = tpu.memref_slice %arg6[%add3A_35] : memref<40960xf32, #tpu.memory_space<hbm>> -> memref<1280xf32, #tpu.memory_space<hbm>>
      tpu.enqueue_dma source(%dma_start3A_45 : memref<1280xf32, #tpu.memory_space<hbm>>) target(%arg14 : memref<1280xf32, #tpu.memory_space<vmem>>) target_semaphore(%run_scoped3A : memref<!tpu.dma_semaphore, #tpu.memory_space<semaphore_mem>>)
      %dma_wait3A = tpu.memref_slice %arg6[%add3A_35] : memref<40960xf32, #tpu.memory_space<hbm>> -> memref<1280xf32, #tpu.memory_space<hbm>>
      %dma_wait3A_46 = tpu.memref_slice %arg6[%add3A_35] : memref<40960xf32, #tpu.memory_space<hbm>> -> memref<1280xf32, #tpu.memory_space<hbm>>
      tpu.wait_dma2 semaphore(%run_scoped3A : memref<!tpu.dma_semaphore, #tpu.memory_space<semaphore_mem>>) src(%dma_wait3A_46 : memref<1280xf32, #tpu.memory_space<hbm>>) dst(%arg14 : memref<1280xf32, #tpu.memory_space<vmem>>)
      tpu.yield
    }) : () -> ()
    "tpu.region"() ({
      %run_scoped3A = tpu.sem_alloc : memref<!tpu.dma_semaphore, #tpu.memory_space<semaphore_mem>>
      %dma_start3A = tpu.memref_slice %arg7[%add3A_35] : memref<40960xf32, #tpu.memory_space<hbm>> -> memref<1280xf32, #tpu.memory_space<hbm>>
      %dma_start3A_45 = tpu.memref_slice %arg7[%add3A_35] : memref<40960xf32, #tpu.memory_space<hbm>> -> memref<1280xf32, #tpu.memory_space<hbm>>
      tpu.enqueue_dma source(%dma_start3A_45 : memref<1280xf32, #tpu.memory_space<hbm>>) target(%arg15 : memref<1280xf32, #tpu.memory_space<vmem>>) target_semaphore(%run_scoped3A : memref<!tpu.dma_semaphore, #tpu.memory_space<semaphore_mem>>)
      %dma_wait3A = tpu.memref_slice %arg7[%add3A_35] : memref<40960xf32, #tpu.memory_space<hbm>> -> memref<1280xf32, #tpu.memory_space<hbm>>
      %dma_wait3A_46 = tpu.memref_slice %arg7[%add3A_35] : memref<40960xf32, #tpu.memory_space<hbm>> -> memref<1280xf32, #tpu.memory_space<hbm>>
      tpu.wait_dma2 semaphore(%run_scoped3A : memref<!tpu.dma_semaphore, #tpu.memory_space<semaphore_mem>>) src(%dma_wait3A_46 : memref<1280xf32, #tpu.memory_space<hbm>>) dst(%arg15 : memref<1280xf32, #tpu.memory_space<vmem>>)
      tpu.yield
    }) : () -> ()
    "tpu.region"() ({
      %run_scoped3A = tpu.sem_alloc : memref<!tpu.dma_semaphore, #tpu.memory_space<semaphore_mem>>
      %dma_start3A = tpu.memref_slice %arg8[%add3A_35] : memref<40960xf32, #tpu.memory_space<hbm>> -> memref<1280xf32, #tpu.memory_space<hbm>>
      %dma_start3A_45 = tpu.memref_slice %arg8[%add3A_35] : memref<40960xf32, #tpu.memory_space<hbm>> -> memref<1280xf32, #tpu.memory_space<hbm>>
      tpu.enqueue_dma source(%dma_start3A_45 : memref<1280xf32, #tpu.memory_space<hbm>>) target(%arg16 : memref<1280xf32, #tpu.memory_space<vmem>>) target_semaphore(%run_scoped3A : memref<!tpu.dma_semaphore, #tpu.memory_space<semaphore_mem>>)
      %dma_wait3A = tpu.memref_slice %arg8[%add3A_35] : memref<40960xf32, #tpu.memory_space<hbm>> -> memref<1280xf32, #tpu.memory_space<hbm>>
      %dma_wait3A_46 = tpu.memref_slice %arg8[%add3A_35] : memref<40960xf32, #tpu.memory_space<hbm>> -> memref<1280xf32, #tpu.memory_space<hbm>>
      tpu.wait_dma2 semaphore(%run_scoped3A : memref<!tpu.dma_semaphore, #tpu.memory_space<semaphore_mem>>) src(%dma_wait3A_46 : memref<1280xf32, #tpu.memory_space<hbm>>) dst(%arg16 : memref<1280xf32, #tpu.memory_space<vmem>>)
      tpu.yield
    }) : () -> ()
    %iota3A = tpu.iota {dimensions = array<i32: 0>} : vector<16xi32>
    %scan3A = arith.constant 0 : i32
    %scan3A_38 = arith.constant 0 : i32
    %scan3A_39 = arith.constant 80 : i32
    %scan3A_40 = arith.addi %scan3A_38, %scan3A_39 : i32
    %scan3A_41 = arith.constant 1 : i32
    scf.for %scan3A_45 = %scan3A_38 to %scan3A_40 step %scan3A_41  : i32 {
      %mul3A_46 = arith.constant 16 : i32
      %mul3A_47 = arith.muli %scan3A_45, %mul3A_46 : i32
      %get3A = arith.index_cast %mul3A_47 : i32 to index
      %get3A_48 = tpu.vector_load %arg11[%get3A] {strides = array<i32>} : memref<1280xi32, #tpu.memory_space<vmem>>, vector<16xi32>,
      %mul3A_49 = arith.constant 12 : i32
      %mul3A_50 = vector.broadcast %mul3A_49 : i32 to vector<16xi32>
      %mul3A_51 = arith.muli %get3A_48, %mul3A_50 : vector<16xi32>
      %get3A_52 = arith.index_cast %mul3A_47 : i32 to index
      %get3A_53 = tpu.vector_load %arg12[%get3A_52] {strides = array<i32>} : memref<1280xi32, #tpu.memory_space<vmem>>, vector<16xi32>,
      %mul3A_54 = arith.constant 12 : i32
      %mul3A_55 = vector.broadcast %mul3A_54 : i32 to vector<16xi32>
      %mul3A_56 = arith.muli %get3A_53, %mul3A_55 : vector<16xi32>
      %get3A_57 = arith.index_cast %mul3A_47 : i32 to index
      %get3A_58 = tpu.vector_load %arg13[%get3A_57] {strides = array<i32>} : memref<1280xi32, #tpu.memory_space<vmem>>, vector<16xi32>,
      %mul3A_59 = arith.constant 12 : i32
      %mul3A_60 = vector.broadcast %mul3A_59 : i32 to vector<16xi32>
      %mul3A_61 = arith.muli %get3A_58, %mul3A_60 : vector<16xi32>
      %get3A_62 = arith.index_cast %mul3A_47 : i32 to index
      %get3A_63 = tpu.vector_load %arg14[%get3A_62] {strides = array<i32>} : memref<1280xf32, #tpu.memory_space<vmem>>, vector<16xf32>,
      %get3A_64 = arith.index_cast %mul3A_47 : i32 to index
      %get3A_65 = tpu.vector_load %arg15[%get3A_64] {strides = array<i32>} : memref<1280xf32, #tpu.memory_space<vmem>>, vector<16xf32>,
      %get3A_66 = arith.index_cast %mul3A_47 : i32 to index
      %get3A_67 = tpu.vector_load %arg16[%get3A_66] {strides = array<i32>} : memref<1280xf32, #tpu.memory_space<vmem>>, vector<16xf32>,
      %add3A_68 = arith.addf %get3A_63, %get3A_65 : vector<16xf32>
      %add3A_69 = arith.addf %add3A_68, %get3A_67 : vector<16xf32>
      %eq3A_70 = arith.constant 0.000000e+00 : f32
      %eq3A_71 = vector.broadcast %eq3A_70 : f32 to vector<16xf32>
      %eq3A_72 = arith.cmpf oeq, %add3A_69, %eq3A_71 : vector<16xf32>
      %jit3A_73 = arith.constant 1.000000e+00 : f32
      %broadcast_in_dim3A = vector.broadcast %jit3A_73 : f32 to vector<16xf32>
      %select_n3A_74 = arith.select %eq3A_72, %broadcast_in_dim3A, %add3A_69 : vector<16xi1>, vector<16xf32>
      %eq3A_75 = arith.constant 0.000000e+00 : f32
      %eq3A_76 = vector.broadcast %eq3A_75 : f32 to vector<16xf32>
      %eq3A_77 = arith.cmpf oeq, %add3A_69, %eq3A_76 : vector<16xf32>
      %mul3A_78 = arith.constant 16 : i32
      %mul3A_79 = arith.muli %scan3A_45, %mul3A_78 : i32
      %add3A_80 = vector.broadcast %mul3A_79 : i32 to vector<16xi32>
      %add3A_81 = arith.addi %add3A_80, %iota3A : vector<16xi32>
      %mul3A_82 = arith.constant 12 : i32
      %mul3A_83 = vector.broadcast %mul3A_82 : i32 to vector<16xi32>
      %mul3A_84 = arith.muli %add3A_81, %mul3A_83 : vector<16xi32>
      %add3A_85 = arith.constant 0 : i32
      %add3A_86 = vector.broadcast %add3A_85 : i32 to vector<16xi32>
      %add3A_87 = arith.addi %mul3A_51, %add3A_86 : vector<16xi32>
      %gather3A = tpu.vector_load_idx %arg10[%add3A_87] : memref<60000xf32, #tpu.memory_space<vmem>>[vector<16xi32>], vector<16xf32>,
      %add3A_88 = arith.constant 0 : i32
      %add3A_89 = vector.broadcast %add3A_88 : i32 to vector<16xi32>
      %add3A_90 = arith.addi %mul3A_56, %add3A_89 : vector<16xi32>
      %gather3A_91 = tpu.vector_load_idx %arg10[%add3A_90] : memref<60000xf32, #tpu.memory_space<vmem>>[vector<16xi32>], vector<16xf32>,
      %add3A_92 = arith.constant 0 : i32
      %add3A_93 = vector.broadcast %add3A_92 : i32 to vector<16xi32>
      %add3A_94 = arith.addi %mul3A_61, %add3A_93 : vector<16xi32>
      %gather3A_95 = tpu.vector_load_idx %arg10[%add3A_94] : memref<60000xf32, #tpu.memory_space<vmem>>[vector<16xi32>], vector<16xf32>,
      %mul3A_96 = arith.mulf %gather3A, %get3A_63 : vector<16xf32>
      %mul3A_97 = arith.mulf %gather3A_91, %get3A_65 : vector<16xf32>
      %add3A_98 = arith.addf %mul3A_96, %mul3A_97 : vector<16xf32>
      %mul3A_99 = arith.mulf %gather3A_95, %get3A_67 : vector<16xf32>
      %add3A_100 = arith.addf %add3A_98, %mul3A_99 : vector<16xf32>
      %div3A_101 = arith.divf %add3A_100, %select_n3A_74 : vector<16xf32>
      %jit3A_102 = arith.constant 0.000000e+00 : f32
      %broadcast_in_dim3A_103 = vector.broadcast %jit3A_102 : f32 to vector<16xf32>
      %select_n3A_104 = arith.select %eq3A_77, %broadcast_in_dim3A_103, %div3A_101 : vector<16xi1>, vector<16xf32>
      %add3A_105 = arith.constant 0 : i32
      %add3A_106 = vector.broadcast %add3A_105 : i32 to vector<16xi32>
      %add3A_107 = arith.addi %mul3A_84, %add3A_106 : vector<16xi32>
      tpu.vector_store_idx %arg17[%add3A_107], %select_n3A_104 : memref<15360xf32, #tpu.memory_space<vmem>>[vector<16xi32>], vector<16xf32>,
      %add3A_108 = arith.constant 1 : i32
      %add3A_109 = vector.broadcast %add3A_108 : i32 to vector<16xi32>
      %add3A_110 = arith.addi %mul3A_51, %add3A_109 : vector<16xi32>
      %gather3A_111 = tpu.vector_load_idx %arg10[%add3A_110] : memref<60000xf32, #tpu.memory_space<vmem>>[vector<16xi32>], vector<16xf32>,
      %add3A_112 = arith.constant 1 : i32
      %add3A_113 = vector.broadcast %add3A_112 : i32 to vector<16xi32>
      %add3A_114 = arith.addi %mul3A_56, %add3A_113 : vector<16xi32>
      %gather3A_115 = tpu.vector_load_idx %arg10[%add3A_114] : memref<60000xf32, #tpu.memory_space<vmem>>[vector<16xi32>], vector<16xf32>,
      %add3A_116 = arith.constant 1 : i32
      %add3A_117 = vector.broadcast %add3A_116 : i32 to vector<16xi32>
      %add3A_118 = arith.addi %mul3A_61, %add3A_117 : vector<16xi32>
      %gather3A_119 = tpu.vector_load_idx %arg10[%add3A_118] : memref<60000xf32, #tpu.memory_space<vmem>>[vector<16xi32>], vector<16xf32>,
      %mul3A_120 = arith.mulf %gather3A_111, %get3A_63 : vector<16xf32>
      %mul3A_121 = arith.mulf %gather3A_115, %get3A_65 : vector<16xf32>
      %add3A_122 = arith.addf %mul3A_120, %mul3A_121 : vector<16xf32>
      %mul3A_123 = arith.mulf %gather3A_119, %get3A_67 : vector<16xf32>
      %add3A_124 = arith.addf %add3A_122, %mul3A_123 : vector<16xf32>
      %div3A_125 = arith.divf %add3A_124, %select_n3A_74 : vector<16xf32>
      %jit3A_126 = arith.constant 0.000000e+00 : f32
      %broadcast_in_dim3A_127 = vector.broadcast %jit3A_126 : f32 to vector<16xf32>
      %select_n3A_128 = arith.select %eq3A_77, %broadcast_in_dim3A_127, %div3A_125 : vector<16xi1>, vector<16xf32>
      %add3A_129 = arith.constant 1 : i32
      %add3A_130 = vector.broadcast %add3A_129 : i32 to vector<16xi32>
      %add3A_131 = arith.addi %mul3A_84, %add3A_130 : vector<16xi32>
      tpu.vector_store_idx %arg17[%add3A_131], %select_n3A_128 : memref<15360xf32, #tpu.memory_space<vmem>>[vector<16xi32>], vector<16xf32>,
      %add3A_132 = arith.constant 2 : i32
      %add3A_133 = vector.broadcast %add3A_132 : i32 to vector<16xi32>
      %add3A_134 = arith.addi %mul3A_51, %add3A_133 : vector<16xi32>
      %gather3A_135 = tpu.vector_load_idx %arg10[%add3A_134] : memref<60000xf32, #tpu.memory_space<vmem>>[vector<16xi32>], vector<16xf32>,
      %add3A_136 = arith.constant 2 : i32
      %add3A_137 = vector.broadcast %add3A_136 : i32 to vector<16xi32>
      %add3A_138 = arith.addi %mul3A_56, %add3A_137 : vector<16xi32>
      %gather3A_139 = tpu.vector_load_idx %arg10[%add3A_138] : memref<60000xf32, #tpu.memory_space<vmem>>[vector<16xi32>], vector<16xf32>,
      %add3A_140 = arith.constant 2 : i32
      %add3A_141 = vector.broadcast %add3A_140 : i32 to vector<16xi32>
      %add3A_142 = arith.addi %mul3A_61, %add3A_141 : vector<16xi32>
      %gather3A_143 = tpu.vector_load_idx %arg10[%add3A_142] : memref<60000xf32, #tpu.memory_space<vmem>>[vector<16xi32>], vector<16xf32>,
      %mul3A_144 = arith.mulf %gather3A_135, %get3A_63 : vector<16xf32>
      %mul3A_145 = arith.mulf %gather3A_139, %get3A_65 : vector<16xf32>
      %add3A_146 = arith.addf %mul3A_144, %mul3A_145 : vector<16xf32>
      %mul3A_147 = arith.mulf %gather3A_143, %get3A_67 : vector<16xf32>
      %add3A_148 = arith.addf %add3A_146, %mul3A_147 : vector<16xf32>
      %div3A_149 = arith.divf %add3A_148, %select_n3A_74 : vector<16xf32>
      %jit3A_150 = arith.constant 0.000000e+00 : f32
      %broadcast_in_dim3A_151 = vector.broadcast %jit3A_150 : f32 to vector<16xf32>
      %select_n3A_152 = arith.select %eq3A_77, %broadcast_in_dim3A_151, %div3A_149 : vector<16xi1>, vector<16xf32>
      %add3A_153 = arith.constant 2 : i32
      %add3A_154 = vector.broadcast %add3A_153 : i32 to vector<16xi32>
      %add3A_155 = arith.addi %mul3A_84, %add3A_154 : vector<16xi32>
      tpu.vector_store_idx %arg17[%add3A_155], %select_n3A_152 : memref<15360xf32, #tpu.memory_space<vmem>>[vector<16xi32>], vector<16xf32>,
      %add3A_156 = arith.constant 3 : i32
      %add3A_157 = vector.broadcast %add3A_156 : i32 to vector<16xi32>
      %add3A_158 = arith.addi %mul3A_51, %add3A_157 : vector<16xi32>
      %gather3A_159 = tpu.vector_load_idx %arg10[%add3A_158] : memref<60000xf32, #tpu.memory_space<vmem>>[vector<16xi32>], vector<16xf32>,
      %add3A_160 = arith.constant 3 : i32
      %add3A_161 = vector.broadcast %add3A_160 : i32 to vector<16xi32>
      %add3A_162 = arith.addi %mul3A_56, %add3A_161 : vector<16xi32>
      %gather3A_163 = tpu.vector_load_idx %arg10[%add3A_162] : memref<60000xf32, #tpu.memory_space<vmem>>[vector<16xi32>], vector<16xf32>,
      %add3A_164 = arith.constant 3 : i32
      %add3A_165 = vector.broadcast %add3A_164 : i32 to vector<16xi32>
      %add3A_166 = arith.addi %mul3A_61, %add3A_165 : vector<16xi32>
      %gather3A_167 = tpu.vector_load_idx %arg10[%add3A_166] : memref<60000xf32, #tpu.memory_space<vmem>>[vector<16xi32>], vector<16xf32>,
      %mul3A_168 = arith.mulf %gather3A_159, %get3A_63 : vector<16xf32>
      %mul3A_169 = arith.mulf %gather3A_163, %get3A_65 : vector<16xf32>
      %add3A_170 = arith.addf %mul3A_168, %mul3A_169 : vector<16xf32>
      %mul3A_171 = arith.mulf %gather3A_167, %get3A_67 : vector<16xf32>
      %add3A_172 = arith.addf %add3A_170, %mul3A_171 : vector<16xf32>
      %div3A_173 = arith.divf %add3A_172, %select_n3A_74 : vector<16xf32>
      %jit3A_174 = arith.constant 0.000000e+00 : f32
      %broadcast_in_dim3A_175 = vector.broadcast %jit3A_174 : f32 to vector<16xf32>
      %select_n3A_176 = arith.select %eq3A_77, %broadcast_in_dim3A_175, %div3A_173 : vector<16xi1>, vector<16xf32>
      %add3A_177 = arith.constant 3 : i32
      %add3A_178 = vector.broadcast %add3A_177 : i32 to vector<16xi32>
      %add3A_179 = arith.addi %mul3A_84, %add3A_178 : vector<16xi32>
      tpu.vector_store_idx %arg17[%add3A_179], %select_n3A_176 : memref<15360xf32, #tpu.memory_space<vmem>>[vector<16xi32>], vector<16xf32>,
      %add3A_180 = arith.constant 4 : i32
      %add3A_181 = vector.broadcast %add3A_180 : i32 to vector<16xi32>
      %add3A_182 = arith.addi %mul3A_51, %add3A_181 : vector<16xi32>
      %gather3A_183 = tpu.vector_load_idx %arg10[%add3A_182] : memref<60000xf32, #tpu.memory_space<vmem>>[vector<16xi32>], vector<16xf32>,
      %add3A_184 = arith.constant 4 : i32
      %add3A_185 = vector.broadcast %add3A_184 : i32 to vector<16xi32>
      %add3A_186 = arith.addi %mul3A_56, %add3A_185 : vector<16xi32>
      %gather3A_187 = tpu.vector_load_idx %arg10[%add3A_186] : memref<60000xf32, #tpu.memory_space<vmem>>[vector<16xi32>], vector<16xf32>,
      %add3A_188 = arith.constant 4 : i32
      %add3A_189 = vector.broadcast %add3A_188 : i32 to vector<16xi32>
      %add3A_190 = arith.addi %mul3A_61, %add3A_189 : vector<16xi32>
      %gather3A_191 = tpu.vector_load_idx %arg10[%add3A_190] : memref<60000xf32, #tpu.memory_space<vmem>>[vector<16xi32>], vector<16xf32>,
      %mul3A_192 = arith.mulf %gather3A_183, %get3A_63 : vector<16xf32>
      %mul3A_193 = arith.mulf %gather3A_187, %get3A_65 : vector<16xf32>
      %add3A_194 = arith.addf %mul3A_192, %mul3A_193 : vector<16xf32>
      %mul3A_195 = arith.mulf %gather3A_191, %get3A_67 : vector<16xf32>
      %add3A_196 = arith.addf %add3A_194, %mul3A_195 : vector<16xf32>
      %div3A_197 = arith.divf %add3A_196, %select_n3A_74 : vector<16xf32>
      %jit3A_198 = arith.constant 0.000000e+00 : f32
      %broadcast_in_dim3A_199 = vector.broadcast %jit3A_198 : f32 to vector<16xf32>
      %select_n3A_200 = arith.select %eq3A_77, %broadcast_in_dim3A_199, %div3A_197 : vector<16xi1>, vector<16xf32>
      %add3A_201 = arith.constant 4 : i32
      %add3A_202 = vector.broadcast %add3A_201 : i32 to vector<16xi32>
      %add3A_203 = arith.addi %mul3A_84, %add3A_202 : vector<16xi32>
      tpu.vector_store_idx %arg17[%add3A_203], %select_n3A_200 : memref<15360xf32, #tpu.memory_space<vmem>>[vector<16xi32>], vector<16xf32>,
      %add3A_204 = arith.constant 5 : i32
      %add3A_205 = vector.broadcast %add3A_204 : i32 to vector<16xi32>
      %add3A_206 = arith.addi %mul3A_51, %add3A_205 : vector<16xi32>
      %gather3A_207 = tpu.vector_load_idx %arg10[%add3A_206] : memref<60000xf32, #tpu.memory_space<vmem>>[vector<16xi32>], vector<16xf32>,
      %add3A_208 = arith.constant 5 : i32
      %add3A_209 = vector.broadcast %add3A_208 : i32 to vector<16xi32>
      %add3A_210 = arith.addi %mul3A_56, %add3A_209 : vector<16xi32>
      %gather3A_211 = tpu.vector_load_idx %arg10[%add3A_210] : memref<60000xf32, #tpu.memory_space<vmem>>[vector<16xi32>], vector<16xf32>,
      %add3A_212 = arith.constant 5 : i32
      %add3A_213 = vector.broadcast %add3A_212 : i32 to vector<16xi32>
      %add3A_214 = arith.addi %mul3A_61, %add3A_213 : vector<16xi32>
      %gather3A_215 = tpu.vector_load_idx %arg10[%add3A_214] : memref<60000xf32, #tpu.memory_space<vmem>>[vector<16xi32>], vector<16xf32>,
      %mul3A_216 = arith.mulf %gather3A_207, %get3A_63 : vector<16xf32>
      %mul3A_217 = arith.mulf %gather3A_211, %get3A_65 : vector<16xf32>
      %add3A_218 = arith.addf %mul3A_216, %mul3A_217 : vector<16xf32>
      %mul3A_219 = arith.mulf %gather3A_215, %get3A_67 : vector<16xf32>
      %add3A_220 = arith.addf %add3A_218, %mul3A_219 : vector<16xf32>
      %div3A_221 = arith.divf %add3A_220, %select_n3A_74 : vector<16xf32>
      %jit3A_222 = arith.constant 0.000000e+00 : f32
      %broadcast_in_dim3A_223 = vector.broadcast %jit3A_222 : f32 to vector<16xf32>
      %select_n3A_224 = arith.select %eq3A_77, %broadcast_in_dim3A_223, %div3A_221 : vector<16xi1>, vector<16xf32>
      %add3A_225 = arith.constant 5 : i32
      %add3A_226 = vector.broadcast %add3A_225 : i32 to vector<16xi32>
      %add3A_227 = arith.addi %mul3A_84, %add3A_226 : vector<16xi32>
      tpu.vector_store_idx %arg17[%add3A_227], %select_n3A_224 : memref<15360xf32, #tpu.memory_space<vmem>>[vector<16xi32>], vector<16xf32>,
      %add3A_228 = arith.constant 6 : i32
      %add3A_229 = vector.broadcast %add3A_228 : i32 to vector<16xi32>
      %add3A_230 = arith.addi %mul3A_51, %add3A_229 : vector<16xi32>
      %gather3A_231 = tpu.vector_load_idx %arg10[%add3A_230] : memref<60000xf32, #tpu.memory_space<vmem>>[vector<16xi32>], vector<16xf32>,
      %add3A_232 = arith.constant 6 : i32
      %add3A_233 = vector.broadcast %add3A_232 : i32 to vector<16xi32>
      %add3A_234 = arith.addi %mul3A_56, %add3A_233 : vector<16xi32>
      %gather3A_235 = tpu.vector_load_idx %arg10[%add3A_234] : memref<60000xf32, #tpu.memory_space<vmem>>[vector<16xi32>], vector<16xf32>,
      %add3A_236 = arith.constant 6 : i32
      %add3A_237 = vector.broadcast %add3A_236 : i32 to vector<16xi32>
      %add3A_238 = arith.addi %mul3A_61, %add3A_237 : vector<16xi32>
      %gather3A_239 = tpu.vector_load_idx %arg10[%add3A_238] : memref<60000xf32, #tpu.memory_space<vmem>>[vector<16xi32>], vector<16xf32>,
      %mul3A_240 = arith.mulf %gather3A_231, %get3A_63 : vector<16xf32>
      %mul3A_241 = arith.mulf %gather3A_235, %get3A_65 : vector<16xf32>
      %add3A_242 = arith.addf %mul3A_240, %mul3A_241 : vector<16xf32>
      %mul3A_243 = arith.mulf %gather3A_239, %get3A_67 : vector<16xf32>
      %add3A_244 = arith.addf %add3A_242, %mul3A_243 : vector<16xf32>
      %div3A_245 = arith.divf %add3A_244, %select_n3A_74 : vector<16xf32>
      %jit3A_246 = arith.constant 0.000000e+00 : f32
      %broadcast_in_dim3A_247 = vector.broadcast %jit3A_246 : f32 to vector<16xf32>
      %select_n3A_248 = arith.select %eq3A_77, %broadcast_in_dim3A_247, %div3A_245 : vector<16xi1>, vector<16xf32>
      %add3A_249 = arith.constant 6 : i32
      %add3A_250 = vector.broadcast %add3A_249 : i32 to vector<16xi32>
      %add3A_251 = arith.addi %mul3A_84, %add3A_250 : vector<16xi32>
      tpu.vector_store_idx %arg17[%add3A_251], %select_n3A_248 : memref<15360xf32, #tpu.memory_space<vmem>>[vector<16xi32>], vector<16xf32>,
      %add3A_252 = arith.constant 7 : i32
      %add3A_253 = vector.broadcast %add3A_252 : i32 to vector<16xi32>
      %add3A_254 = arith.addi %mul3A_51, %add3A_253 : vector<16xi32>
      %gather3A_255 = tpu.vector_load_idx %arg10[%add3A_254] : memref<60000xf32, #tpu.memory_space<vmem>>[vector<16xi32>], vector<16xf32>,
      %add3A_256 = arith.constant 7 : i32
      %add3A_257 = vector.broadcast %add3A_256 : i32 to vector<16xi32>
      %add3A_258 = arith.addi %mul3A_56, %add3A_257 : vector<16xi32>
      %gather3A_259 = tpu.vector_load_idx %arg10[%add3A_258] : memref<60000xf32, #tpu.memory_space<vmem>>[vector<16xi32>], vector<16xf32>,
      %add3A_260 = arith.constant 7 : i32
      %add3A_261 = vector.broadcast %add3A_260 : i32 to vector<16xi32>
      %add3A_262 = arith.addi %mul3A_61, %add3A_261 : vector<16xi32>
      %gather3A_263 = tpu.vector_load_idx %arg10[%add3A_262] : memref<60000xf32, #tpu.memory_space<vmem>>[vector<16xi32>], vector<16xf32>,
      %mul3A_264 = arith.mulf %gather3A_255, %get3A_63 : vector<16xf32>
      %mul3A_265 = arith.mulf %gather3A_259, %get3A_65 : vector<16xf32>
      %add3A_266 = arith.addf %mul3A_264, %mul3A_265 : vector<16xf32>
      %mul3A_267 = arith.mulf %gather3A_263, %get3A_67 : vector<16xf32>
      %add3A_268 = arith.addf %add3A_266, %mul3A_267 : vector<16xf32>
      %div3A_269 = arith.divf %add3A_268, %select_n3A_74 : vector<16xf32>
      %jit3A_270 = arith.constant 0.000000e+00 : f32
      %broadcast_in_dim3A_271 = vector.broadcast %jit3A_270 : f32 to vector<16xf32>
      %select_n3A_272 = arith.select %eq3A_77, %broadcast_in_dim3A_271, %div3A_269 : vector<16xi1>, vector<16xf32>
      %add3A_273 = arith.constant 7 : i32
      %add3A_274 = vector.broadcast %add3A_273 : i32 to vector<16xi32>
      %add3A_275 = arith.addi %mul3A_84, %add3A_274 : vector<16xi32>
      tpu.vector_store_idx %arg17[%add3A_275], %select_n3A_272 : memref<15360xf32, #tpu.memory_space<vmem>>[vector<16xi32>], vector<16xf32>,
      %add3A_276 = arith.constant 8 : i32
      %add3A_277 = vector.broadcast %add3A_276 : i32 to vector<16xi32>
      %add3A_278 = arith.addi %mul3A_51, %add3A_277 : vector<16xi32>
      %gather3A_279 = tpu.vector_load_idx %arg10[%add3A_278] : memref<60000xf32, #tpu.memory_space<vmem>>[vector<16xi32>], vector<16xf32>,
      %add3A_280 = arith.constant 8 : i32
      %add3A_281 = vector.broadcast %add3A_280 : i32 to vector<16xi32>
      %add3A_282 = arith.addi %mul3A_56, %add3A_281 : vector<16xi32>
      %gather3A_283 = tpu.vector_load_idx %arg10[%add3A_282] : memref<60000xf32, #tpu.memory_space<vmem>>[vector<16xi32>], vector<16xf32>,
      %add3A_284 = arith.constant 8 : i32
      %add3A_285 = vector.broadcast %add3A_284 : i32 to vector<16xi32>
      %add3A_286 = arith.addi %mul3A_61, %add3A_285 : vector<16xi32>
      %gather3A_287 = tpu.vector_load_idx %arg10[%add3A_286] : memref<60000xf32, #tpu.memory_space<vmem>>[vector<16xi32>], vector<16xf32>,
      %mul3A_288 = arith.mulf %gather3A_279, %get3A_63 : vector<16xf32>
      %mul3A_289 = arith.mulf %gather3A_283, %get3A_65 : vector<16xf32>
      %add3A_290 = arith.addf %mul3A_288, %mul3A_289 : vector<16xf32>
      %mul3A_291 = arith.mulf %gather3A_287, %get3A_67 : vector<16xf32>
      %add3A_292 = arith.addf %add3A_290, %mul3A_291 : vector<16xf32>
      %div3A_293 = arith.divf %add3A_292, %select_n3A_74 : vector<16xf32>
      %jit3A_294 = arith.constant 0.000000e+00 : f32
      %broadcast_in_dim3A_295 = vector.broadcast %jit3A_294 : f32 to vector<16xf32>
      %select_n3A_296 = arith.select %eq3A_77, %broadcast_in_dim3A_295, %div3A_293 : vector<16xi1>, vector<16xf32>
      %add3A_297 = arith.constant 8 : i32
      %add3A_298 = vector.broadcast %add3A_297 : i32 to vector<16xi32>
      %add3A_299 = arith.addi %mul3A_84, %add3A_298 : vector<16xi32>
      tpu.vector_store_idx %arg17[%add3A_299], %select_n3A_296 : memref<15360xf32, #tpu.memory_space<vmem>>[vector<16xi32>], vector<16xf32>,
      %add3A_300 = arith.constant 9 : i32
      %add3A_301 = vector.broadcast %add3A_300 : i32 to vector<16xi32>
      %add3A_302 = arith.addi %mul3A_51, %add3A_301 : vector<16xi32>
      %gather3A_303 = tpu.vector_load_idx %arg10[%add3A_302] : memref<60000xf32, #tpu.memory_space<vmem>>[vector<16xi32>], vector<16xf32>,
      %add3A_304 = arith.constant 9 : i32
      %add3A_305 = vector.broadcast %add3A_304 : i32 to vector<16xi32>
      %add3A_306 = arith.addi %mul3A_56, %add3A_305 : vector<16xi32>
      %gather3A_307 = tpu.vector_load_idx %arg10[%add3A_306] : memref<60000xf32, #tpu.memory_space<vmem>>[vector<16xi32>], vector<16xf32>,
      %add3A_308 = arith.constant 9 : i32
      %add3A_309 = vector.broadcast %add3A_308 : i32 to vector<16xi32>
      %add3A_310 = arith.addi %mul3A_61, %add3A_309 : vector<16xi32>
      %gather3A_311 = tpu.vector_load_idx %arg10[%add3A_310] : memref<60000xf32, #tpu.memory_space<vmem>>[vector<16xi32>], vector<16xf32>,
      %mul3A_312 = arith.mulf %gather3A_303, %get3A_63 : vector<16xf32>
      %mul3A_313 = arith.mulf %gather3A_307, %get3A_65 : vector<16xf32>
      %add3A_314 = arith.addf %mul3A_312, %mul3A_313 : vector<16xf32>
      %mul3A_315 = arith.mulf %gather3A_311, %get3A_67 : vector<16xf32>
      %add3A_316 = arith.addf %add3A_314, %mul3A_315 : vector<16xf32>
      %div3A_317 = arith.divf %add3A_316, %select_n3A_74 : vector<16xf32>
      %jit3A_318 = arith.constant 0.000000e+00 : f32
      %broadcast_in_dim3A_319 = vector.broadcast %jit3A_318 : f32 to vector<16xf32>
      %select_n3A_320 = arith.select %eq3A_77, %broadcast_in_dim3A_319, %div3A_317 : vector<16xi1>, vector<16xf32>
      %add3A_321 = arith.constant 9 : i32
      %add3A_322 = vector.broadcast %add3A_321 : i32 to vector<16xi32>
      %add3A_323 = arith.addi %mul3A_84, %add3A_322 : vector<16xi32>
      tpu.vector_store_idx %arg17[%add3A_323], %select_n3A_320 : memref<15360xf32, #tpu.memory_space<vmem>>[vector<16xi32>], vector<16xf32>,
      %add3A_324 = arith.constant 10 : i32
      %add3A_325 = vector.broadcast %add3A_324 : i32 to vector<16xi32>
      %add3A_326 = arith.addi %mul3A_51, %add3A_325 : vector<16xi32>
      %gather3A_327 = tpu.vector_load_idx %arg10[%add3A_326] : memref<60000xf32, #tpu.memory_space<vmem>>[vector<16xi32>], vector<16xf32>,
      %add3A_328 = arith.constant 10 : i32
      %add3A_329 = vector.broadcast %add3A_328 : i32 to vector<16xi32>
      %add3A_330 = arith.addi %mul3A_56, %add3A_329 : vector<16xi32>
      %gather3A_331 = tpu.vector_load_idx %arg10[%add3A_330] : memref<60000xf32, #tpu.memory_space<vmem>>[vector<16xi32>], vector<16xf32>,
      %add3A_332 = arith.constant 10 : i32
      %add3A_333 = vector.broadcast %add3A_332 : i32 to vector<16xi32>
      %add3A_334 = arith.addi %mul3A_61, %add3A_333 : vector<16xi32>
      %gather3A_335 = tpu.vector_load_idx %arg10[%add3A_334] : memref<60000xf32, #tpu.memory_space<vmem>>[vector<16xi32>], vector<16xf32>,
      %mul3A_336 = arith.mulf %gather3A_327, %get3A_63 : vector<16xf32>
      %mul3A_337 = arith.mulf %gather3A_331, %get3A_65 : vector<16xf32>
      %add3A_338 = arith.addf %mul3A_336, %mul3A_337 : vector<16xf32>
      %mul3A_339 = arith.mulf %gather3A_335, %get3A_67 : vector<16xf32>
      %add3A_340 = arith.addf %add3A_338, %mul3A_339 : vector<16xf32>
      %div3A_341 = arith.divf %add3A_340, %select_n3A_74 : vector<16xf32>
      %jit3A_342 = arith.constant 0.000000e+00 : f32
      %broadcast_in_dim3A_343 = vector.broadcast %jit3A_342 : f32 to vector<16xf32>
      %select_n3A_344 = arith.select %eq3A_77, %broadcast_in_dim3A_343, %div3A_341 : vector<16xi1>, vector<16xf32>
      %add3A_345 = arith.constant 10 : i32
      %add3A_346 = vector.broadcast %add3A_345 : i32 to vector<16xi32>
      %add3A_347 = arith.addi %mul3A_84, %add3A_346 : vector<16xi32>
      tpu.vector_store_idx %arg17[%add3A_347], %select_n3A_344 : memref<15360xf32, #tpu.memory_space<vmem>>[vector<16xi32>], vector<16xf32>,
      %add3A_348 = arith.constant 11 : i32
      %add3A_349 = vector.broadcast %add3A_348 : i32 to vector<16xi32>
      %add3A_350 = arith.addi %mul3A_51, %add3A_349 : vector<16xi32>
      %gather3A_351 = tpu.vector_load_idx %arg10[%add3A_350] : memref<60000xf32, #tpu.memory_space<vmem>>[vector<16xi32>], vector<16xf32>,
      %add3A_352 = arith.constant 11 : i32
      %add3A_353 = vector.broadcast %add3A_352 : i32 to vector<16xi32>
      %add3A_354 = arith.addi %mul3A_56, %add3A_353 : vector<16xi32>
      %gather3A_355 = tpu.vector_load_idx %arg10[%add3A_354] : memref<60000xf32, #tpu.memory_space<vmem>>[vector<16xi32>], vector<16xf32>,
      %add3A_356 = arith.constant 11 : i32
      %add3A_357 = vector.broadcast %add3A_356 : i32 to vector<16xi32>
      %add3A_358 = arith.addi %mul3A_61, %add3A_357 : vector<16xi32>
      %gather3A_359 = tpu.vector_load_idx %arg10[%add3A_358] : memref<60000xf32, #tpu.memory_space<vmem>>[vector<16xi32>], vector<16xf32>,
      %mul3A_360 = arith.mulf %gather3A_351, %get3A_63 : vector<16xf32>
      %mul3A_361 = arith.mulf %gather3A_355, %get3A_65 : vector<16xf32>
      %add3A_362 = arith.addf %mul3A_360, %mul3A_361 : vector<16xf32>
      %mul3A_363 = arith.mulf %gather3A_359, %get3A_67 : vector<16xf32>
      %add3A_364 = arith.addf %add3A_362, %mul3A_363 : vector<16xf32>
      %div3A_365 = arith.divf %add3A_364, %select_n3A_74 : vector<16xf32>
      %jit3A_366 = arith.constant 0.000000e+00 : f32
      %broadcast_in_dim3A_367 = vector.broadcast %jit3A_366 : f32 to vector<16xf32>
      %select_n3A_368 = arith.select %eq3A_77, %broadcast_in_dim3A_367, %div3A_365 : vector<16xi1>, vector<16xf32>
      %add3A_369 = arith.constant 11 : i32
      %add3A_370 = vector.broadcast %add3A_369 : i32 to vector<16xi32>
      %add3A_371 = arith.addi %mul3A_84, %add3A_370 : vector<16xi32>
      tpu.vector_store_idx %arg17[%add3A_371], %select_n3A_368 : memref<15360xf32, #tpu.memory_space<vmem>>[vector<16xi32>], vector<16xf32>,
    }
    %scan3A_42 = arith.constant 80 : i32
    %mul3A_43 = arith.constant 12 : i32
    %mul3A_44 = arith.muli %add3A_35, %mul3A_43 : i32
    "tpu.region"() ({
      %run_scoped3A = tpu.sem_alloc : memref<!tpu.dma_semaphore, #tpu.memory_space<semaphore_mem>>
      %dma_start3A = tpu.memref_slice %arg9[%mul3A_44] : memref<491520xf32, #tpu.memory_space<hbm>> -> memref<15360xf32, #tpu.memory_space<hbm>>
      %dma_start3A_45 = tpu.memref_slice %arg9[%mul3A_44] : memref<491520xf32, #tpu.memory_space<hbm>> -> memref<15360xf32, #tpu.memory_space<hbm>>
      tpu.enqueue_dma source(%arg17 : memref<15360xf32, #tpu.memory_space<vmem>>) target(%dma_start3A_45 : memref<15360xf32, #tpu.memory_space<hbm>>) target_semaphore(%run_scoped3A : memref<!tpu.dma_semaphore, #tpu.memory_space<semaphore_mem>>)
      %dma_wait3A = tpu.memref_slice %arg9[%mul3A_44] : memref<491520xf32, #tpu.memory_space<hbm>> -> memref<15360xf32, #tpu.memory_space<hbm>>
      %dma_wait3A_46 = tpu.memref_slice %arg9[%mul3A_44] : memref<491520xf32, #tpu.memory_space<hbm>> -> memref<15360xf32, #tpu.memory_space<hbm>>
      tpu.wait_dma2 semaphore(%run_scoped3A : memref<!tpu.dma_semaphore, #tpu.memory_space<semaphore_mem>>) src(%arg17 : memref<15360xf32, #tpu.memory_space<vmem>>) dst(%dma_wait3A_46 : memref<15360xf32, #tpu.memory_space<hbm>>)
      tpu.yield
    }) : () -> ()
    return
  }
}

module attributes {stable_mosaic.version = 14 : i64} {
  func.func @_heads_body(%arg0: i32, %arg1: i32, %arg2: memref<1x1x256xf32, #tpu.memory_space<vmem>>, %arg3: memref<1x1x256xf32, #tpu.memory_space<vmem>>, %arg4: memref<1x1x256xf32, #tpu.memory_space<vmem>>, %arg5: memref<1x1x256xf32, #tpu.memory_space<vmem>>, %arg6: memref<1x1x256xf32, #tpu.memory_space<vmem>>, %arg7: memref<1x5120x1xf32, #tpu.memory_space<vmem>>, %arg8: memref<1x5120x1xf32, #tpu.memory_space<vmem>>, %arg9: memref<1x5120x1xf32, #tpu.memory_space<vmem>>, %arg10: memref<1x5120x1xf32, #tpu.memory_space<vmem>>, %arg11: memref<1x5120x1xf32, #tpu.memory_space<vmem>>, %arg12: memref<1x1x256xi32, #tpu.memory_space<vmem>>) attributes {dimension_semantics = [#tpu.dimension_semantics<arbitrary>, #tpu.dimension_semantics<arbitrary>], iteration_bounds = array<i64: 8, 20>, scalar_prefetch = 0 : i64, scratch_operands = 0 : i64, tpu.core_type = #tpu.core_type<tc>, window_params = [{transform_indices = @transform_0, window_bounds = array<i64: 1, 1, 256>}, {transform_indices = @transform_1, window_bounds = array<i64: 1, 1, 256>}, {transform_indices = @transform_2, window_bounds = array<i64: 1, 1, 256>}, {transform_indices = @transform_3, window_bounds = array<i64: 1, 1, 256>}, {transform_indices = @transform_4, window_bounds = array<i64: 1, 1, 256>}, {transform_indices = @transform_5, window_bounds = array<i64: 1, 5120, 1>}, {transform_indices = @transform_6, window_bounds = array<i64: 1, 5120, 1>}, {transform_indices = @transform_7, window_bounds = array<i64: 1, 5120, 1>}, {transform_indices = @transform_8, window_bounds = array<i64: 1, 5120, 1>}, {transform_indices = @transform_9, window_bounds = array<i64: 1, 5120, 1>}, {transform_indices = @transform_10, window_bounds = array<i64: 1, 1, 256>}]} {
    %get3A = arith.constant 0 : index
    %get3A_0 = arith.constant 0 : index
    %get3A_1 = arith.constant 0 : index
    %get3A_2 = vector.load %arg2[%get3A, %get3A_0, %get3A_1] : memref<1x1x256xf32, #tpu.memory_space<vmem>>, vector<1x1x256xf32>
    %get3A_3 = vector.shape_cast %get3A_2 : vector<1x1x256xf32> to vector<256xf32>
    %get3A_4 = arith.constant 0 : index
    %get3A_5 = arith.constant 0 : index
    %get3A_6 = arith.constant 0 : index
    %get3A_7 = vector.load %arg3[%get3A_4, %get3A_5, %get3A_6] : memref<1x1x256xf32, #tpu.memory_space<vmem>>, vector<1x1x256xf32>
    %get3A_8 = vector.shape_cast %get3A_7 : vector<1x1x256xf32> to vector<256xf32>
    %get3A_9 = arith.constant 0 : index
    %get3A_10 = arith.constant 0 : index
    %get3A_11 = arith.constant 0 : index
    %get3A_12 = vector.load %arg4[%get3A_9, %get3A_10, %get3A_11] : memref<1x1x256xf32, #tpu.memory_space<vmem>>, vector<1x1x256xf32>
    %get3A_13 = vector.shape_cast %get3A_12 : vector<1x1x256xf32> to vector<256xf32>
    %get3A_14 = arith.constant 0 : index
    %get3A_15 = arith.constant 0 : index
    %get3A_16 = arith.constant 0 : index
    %get3A_17 = vector.load %arg5[%get3A_14, %get3A_15, %get3A_16] : memref<1x1x256xf32, #tpu.memory_space<vmem>>, vector<1x1x256xf32>
    %get3A_18 = vector.shape_cast %get3A_17 : vector<1x1x256xf32> to vector<256xf32>
    %get3A_19 = arith.constant 0 : index
    %get3A_20 = arith.constant 0 : index
    %get3A_21 = arith.constant 0 : index
    %get3A_22 = vector.load %arg6[%get3A_19, %get3A_20, %get3A_21] : memref<1x1x256xf32, #tpu.memory_space<vmem>>, vector<1x1x256xf32>
    %get3A_23 = vector.shape_cast %get3A_22 : vector<1x1x256xf32> to vector<256xf32>
    %sub3A = arith.subf %get3A_18, %get3A_8 : vector<256xf32>
    %add3A = arith.constant 1.000000e+00 : f32
    %add3A_24 = vector.broadcast %add3A : f32 to vector<256xf32>
    %add3A_25 = arith.addf %sub3A, %add3A_24 : vector<256xf32>
    %sub3A_26 = arith.subf %get3A_23, %get3A_13 : vector<256xf32>
    %add3A_27 = arith.constant 1.000000e+00 : f32
    %add3A_28 = vector.broadcast %add3A_27 : f32 to vector<256xf32>
    %add3A_29 = arith.addf %sub3A_26, %add3A_28 : vector<256xf32>
    %mul3A = arith.mulf %add3A_25, %add3A_29 : vector<256xf32>
    %mul3A_30 = arith.constant 256 : i32
    %mul3A_31 = arith.muli %arg1, %mul3A_30 : i32
    %add3A_32 = arith.constant 256 : i32
    %add3A_33 = arith.addi %mul3A_31, %add3A_32 : i32
    %add3A_34 = arith.constant 512 : i32
    %add3A_35 = arith.addi %add3A_33, %add3A_34 : i32
    %sub3A_36 = arith.constant 1 : i32
    %sub3A_37 = arith.subi %add3A_35, %sub3A_36 : i32
    %jit3A = arith.constant 512 : i32
    %div3A = arith.divsi %sub3A_37, %jit3A : i32
    %sign3A = arith.constant 0 : i32
    %sign3A_38 = arith.cmpi sgt, %sub3A_37, %sign3A : i32
    %sign3A_39 = arith.extui %sign3A_38 : i1 to i32
    %sign3A_40 = arith.constant 0 : i32
    %sign3A_41 = arith.cmpi slt, %sub3A_37, %sign3A_40 : i32
    %sign3A_42 = arith.extui %sign3A_41 : i1 to i32
    %sign3A_43 = arith.subi %sign3A_39, %sign3A_42 : i32
    %sign3A_44 = arith.constant 0 : i32
    %sign3A_45 = arith.cmpi sgt, %jit3A, %sign3A_44 : i32
    %sign3A_46 = arith.extui %sign3A_45 : i1 to i32
    %sign3A_47 = arith.constant 0 : i32
    %sign3A_48 = arith.cmpi slt, %jit3A, %sign3A_47 : i32
    %sign3A_49 = arith.extui %sign3A_48 : i1 to i32
    %sign3A_50 = arith.subi %sign3A_46, %sign3A_49 : i32
    %ne3A = arith.cmpi ne, %sign3A_43, %sign3A_50 : i32
    %rem3A = arith.remsi %sub3A_37, %jit3A : i32
    %ne3A_51 = arith.constant 0 : i32
    %ne3A_52 = arith.cmpi ne, %rem3A, %ne3A_51 : i32
    %and3A = arith.andi %ne3A, %ne3A_52 : i1
    %sub3A_53 = arith.constant 1 : i32
    %sub3A_54 = arith.subi %div3A, %sub3A_53 : i32
    %select_n3A = arith.select %and3A, %sub3A_54, %div3A : i32
    %gt3A = arith.constant 8.000000e-01 : f32
    %gt3A_55 = vector.broadcast %gt3A : f32 to vector<256xf32>
    %gt3A_56 = arith.cmpf ogt, %get3A_3, %gt3A_55 : vector<256xf32>
    %jit3A_57 = arith.constant 1073741824 : i32
    %jit3A_58 = arith.constant -2 : i32
    %broadcast_in_dim3A = vector.broadcast %jit3A_57 : i32 to vector<256xi32>
    %broadcast_in_dim3A_59 = vector.broadcast %jit3A_58 : i32 to vector<256xi32>
    %select_n3A_60 = arith.select %gt3A_56, %broadcast_in_dim3A, %broadcast_in_dim3A_59 : vector<256xi1>, vector<256xi32>
    %while3A = arith.constant 0 : i32
    %while3A_61:2 = scf.while (%while3A_73 = %while3A, %while3A_74 = %select_n3A_60) : (i32, vector<256xi32>) -> (i32, vector<256xi32>) {
      %lt3A = arith.cmpi slt, %while3A_73, %select_n3A : i32
      %reduce_max3A = vector.shape_cast %while3A_74 : vector<256xi32> to vector<1x256xi32>
      %reduce_max3A_75 = arith.constant dense<-2147483648> : vector<1xi32>
      %reduce_max3A_76 = vector.multi_reduction <maxsi>, %reduce_max3A, %reduce_max3A_75 [1] : vector<1x256xi32> to vector<1xi32>
      %reduce_max3A_77 = vector.shape_cast %reduce_max3A_76 : vector<1xi32> to vector<1x1xi32>
      %reduce_max3A_78 = vector.extract %reduce_max3A_77[0, 0] : i32 from vector<1x1xi32>
      %eq3A = arith.constant 1073741824 : i32
      %eq3A_79 = arith.cmpi eq, %reduce_max3A_78, %eq3A : i32
      %and3A_80 = arith.andi %lt3A, %eq3A_79 : i1
      scf.condition(%and3A_80) %while3A_73, %while3A_74 : i32, vector<256xi32>
    } do {
    ^bb0(%while3A_73: i32, %while3A_74: vector<256xi32>):
      %mul3A_75 = arith.constant 512 : i32
      %mul3A_76 = arith.muli %while3A_73, %mul3A_75 : i32
      %get3A_77 = arith.constant 0 : index
      %get3A_78 = arith.index_cast %mul3A_76 : i32 to index
      %get3A_79 = arith.constant 0 : index
      %get3A_80 = vector.load %arg7[%get3A_77, %get3A_78, %get3A_79] : memref<1x5120x1xf32, #tpu.memory_space<vmem>>, vector<1x512x1xf32>
      %get3A_81 = vector.shape_cast %get3A_80 : vector<1x512x1xf32> to vector<512x1xf32>
      %get3A_82 = arith.constant 0 : index
      %get3A_83 = arith.index_cast %mul3A_76 : i32 to index
      %get3A_84 = arith.constant 0 : index
      %get3A_85 = vector.load %arg8[%get3A_82, %get3A_83, %get3A_84] : memref<1x5120x1xf32, #tpu.memory_space<vmem>>, vector<1x512x1xf32>
      %get3A_86 = vector.shape_cast %get3A_85 : vector<1x512x1xf32> to vector<512x1xf32>
      %get3A_87 = arith.constant 0 : index
      %get3A_88 = arith.index_cast %mul3A_76 : i32 to index
      %get3A_89 = arith.constant 0 : index
      %get3A_90 = vector.load %arg9[%get3A_87, %get3A_88, %get3A_89] : memref<1x5120x1xf32, #tpu.memory_space<vmem>>, vector<1x512x1xf32>
      %get3A_91 = vector.shape_cast %get3A_90 : vector<1x512x1xf32> to vector<512x1xf32>
      %get3A_92 = arith.constant 0 : index
      %get3A_93 = arith.index_cast %mul3A_76 : i32 to index
      %get3A_94 = arith.constant 0 : index
      %get3A_95 = vector.load %arg10[%get3A_92, %get3A_93, %get3A_94] : memref<1x5120x1xf32, #tpu.memory_space<vmem>>, vector<1x512x1xf32>
      %get3A_96 = vector.shape_cast %get3A_95 : vector<1x512x1xf32> to vector<512x1xf32>
      %get3A_97 = arith.constant 0 : index
      %get3A_98 = arith.index_cast %mul3A_76 : i32 to index
      %get3A_99 = arith.constant 0 : index
      %get3A_100 = vector.load %arg11[%get3A_97, %get3A_98, %get3A_99] : memref<1x5120x1xf32, #tpu.memory_space<vmem>>, vector<1x512x1xf32>
      %get3A_101 = vector.shape_cast %get3A_100 : vector<1x512x1xf32> to vector<512x1xf32>
      %broadcast_in_dim3A_102 = vector.shape_cast %get3A_8 : vector<256xf32> to vector<1x256xf32>
      %max3A = vector.broadcast %get3A_86 : vector<512x1xf32> to vector<512x256xf32>
      %max3A_103 = vector.broadcast %broadcast_in_dim3A_102 : vector<1x256xf32> to vector<512x256xf32>
      %max3A_104 = arith.maximumf %max3A, %max3A_103 : vector<512x256xf32>
      %broadcast_in_dim3A_105 = vector.shape_cast %get3A_13 : vector<256xf32> to vector<1x256xf32>
      %max3A_106 = vector.broadcast %get3A_91 : vector<512x1xf32> to vector<512x256xf32>
      %max3A_107 = vector.broadcast %broadcast_in_dim3A_105 : vector<1x256xf32> to vector<512x256xf32>
      %max3A_108 = arith.maximumf %max3A_106, %max3A_107 : vector<512x256xf32>
      %broadcast_in_dim3A_109 = vector.shape_cast %get3A_18 : vector<256xf32> to vector<1x256xf32>
      %min3A = vector.broadcast %get3A_96 : vector<512x1xf32> to vector<512x256xf32>
      %min3A_110 = vector.broadcast %broadcast_in_dim3A_109 : vector<1x256xf32> to vector<512x256xf32>
      %min3A_111 = arith.minimumf %min3A, %min3A_110 : vector<512x256xf32>
      %broadcast_in_dim3A_112 = vector.shape_cast %get3A_23 : vector<256xf32> to vector<1x256xf32>
      %min3A_113 = vector.broadcast %get3A_101 : vector<512x1xf32> to vector<512x256xf32>
      %min3A_114 = vector.broadcast %broadcast_in_dim3A_112 : vector<1x256xf32> to vector<512x256xf32>
      %min3A_115 = arith.minimumf %min3A_113, %min3A_114 : vector<512x256xf32>
      %sub3A_116 = arith.subf %min3A_111, %max3A_104 : vector<512x256xf32>
      %add3A_117 = arith.constant 1.000000e+00 : f32
      %add3A_118 = vector.broadcast %add3A_117 : f32 to vector<512x256xf32>
      %add3A_119 = arith.addf %sub3A_116, %add3A_118 : vector<512x256xf32>
      %sub3A_120 = arith.subf %min3A_115, %max3A_108 : vector<512x256xf32>
      %add3A_121 = arith.constant 1.000000e+00 : f32
      %add3A_122 = vector.broadcast %add3A_121 : f32 to vector<512x256xf32>
      %add3A_123 = arith.addf %sub3A_120, %add3A_122 : vector<512x256xf32>
      %mul3A_124 = arith.mulf %add3A_119, %add3A_123 : vector<512x256xf32>
      %sub3A_125 = arith.subf %get3A_96, %get3A_86 : vector<512x1xf32>
      %add3A_126 = arith.constant 1.000000e+00 : f32
      %add3A_127 = vector.broadcast %add3A_126 : f32 to vector<512x1xf32>
      %add3A_128 = arith.addf %sub3A_125, %add3A_127 : vector<512x1xf32>
      %sub3A_129 = arith.subf %get3A_101, %get3A_91 : vector<512x1xf32>
      %add3A_130 = arith.constant 1.000000e+00 : f32
      %add3A_131 = vector.broadcast %add3A_130 : f32 to vector<512x1xf32>
      %add3A_132 = arith.addf %sub3A_129, %add3A_131 : vector<512x1xf32>
      %mul3A_133 = arith.mulf %add3A_128, %add3A_132 : vector<512x1xf32>
      %broadcast_in_dim3A_134 = vector.shape_cast %mul3A : vector<256xf32> to vector<1x256xf32>
      %add3A_135 = vector.broadcast %mul3A_133 : vector<512x1xf32> to vector<512x256xf32>
      %add3A_136 = vector.broadcast %broadcast_in_dim3A_134 : vector<1x256xf32> to vector<512x256xf32>
      %add3A_137 = arith.addf %add3A_135, %add3A_136 : vector<512x256xf32>
      %sub3A_138 = arith.subf %add3A_137, %mul3A_124 : vector<512x256xf32>
      %eq3A = arith.constant 0.000000e+00 : f32
      %eq3A_139 = vector.broadcast %eq3A : f32 to vector<512x256xf32>
      %eq3A_140 = arith.cmpf oeq, %sub3A_138, %eq3A_139 : vector<512x256xf32>
      %eq3A_141 = arith.constant 0.000000e+00 : f32
      %eq3A_142 = vector.broadcast %eq3A_141 : f32 to vector<512x256xf32>
      %eq3A_143 = arith.cmpf oeq, %sub3A_138, %eq3A_142 : vector<512x256xf32>
      %jit3A_144 = arith.constant 1.000000e+00 : f32
      %broadcast_in_dim3A_145 = vector.broadcast %jit3A_144 : f32 to vector<512x256xf32>
      %select_n3A_146 = arith.select %eq3A_143, %broadcast_in_dim3A_145, %sub3A_138 : vector<512x256xi1>, vector<512x256xf32>
      %div3A_147 = arith.divf %mul3A_124, %select_n3A_146 : vector<512x256xf32>
      %jit3A_148 = arith.constant 0.000000e+00 : f32
      %broadcast_in_dim3A_149 = vector.broadcast %jit3A_148 : f32 to vector<512x256xf32>
      %select_n3A_150 = arith.select %eq3A_140, %broadcast_in_dim3A_149, %div3A_147 : vector<512x256xi1>, vector<512x256xf32>
      %le3A = arith.constant 0.000000e+00 : f32
      %le3A_151 = vector.broadcast %le3A : f32 to vector<512x256xf32>
      %le3A_152 = arith.cmpf ole, %add3A_119, %le3A_151 : vector<512x256xf32>
      %jit3A_153 = arith.constant 0.000000e+00 : f32
      %broadcast_in_dim3A_154 = vector.broadcast %jit3A_153 : f32 to vector<512x256xf32>
      %select_n3A_155 = arith.select %le3A_152, %broadcast_in_dim3A_154, %select_n3A_150 : vector<512x256xi1>, vector<512x256xf32>
      %le3A_156 = arith.constant 0.000000e+00 : f32
      %le3A_157 = vector.broadcast %le3A_156 : f32 to vector<512x256xf32>
      %le3A_158 = arith.cmpf ole, %add3A_123, %le3A_157 : vector<512x256xf32>
      %jit3A_159 = arith.constant 0.000000e+00 : f32
      %broadcast_in_dim3A_160 = vector.broadcast %jit3A_159 : f32 to vector<512x256xf32>
      %select_n3A_161 = arith.select %le3A_158, %broadcast_in_dim3A_160, %select_n3A_155 : vector<512x256xi1>, vector<512x256xf32>
      %gt3A_162 = arith.constant 5.000000e-01 : f32
      %gt3A_163 = vector.broadcast %gt3A_162 : f32 to vector<512x256xf32>
      %gt3A_164 = arith.cmpf ogt, %select_n3A_161, %gt3A_163 : vector<512x256xf32>
      %gt3A_165 = arith.constant 8.000000e-01 : f32
      %gt3A_166 = vector.broadcast %gt3A_165 : f32 to vector<512x1xf32>
      %gt3A_167 = arith.cmpf ogt, %get3A_81, %gt3A_166 : vector<512x1xf32>
      %and3A_168 = vector.broadcast %gt3A_167 : vector<512x1xi1> to vector<512x256xi1>
      %and3A_169 = arith.andi %gt3A_164, %and3A_168 : vector<512x256xi1>
      %iota3A = tpu.iota {dimensions = array<i32: 0>} : vector<512x256xi32>
      %mul3A_170 = arith.constant 512 : i32
      %mul3A_171 = arith.muli %while3A_73, %mul3A_170 : i32
      %add3A_172 = vector.broadcast %mul3A_171 : i32 to vector<512x256xi32>
      %add3A_173 = arith.addi %iota3A, %add3A_172 : vector<512x256xi32>
      %jit3A_174 = arith.constant 1073741824 : i32
      %broadcast_in_dim3A_175 = vector.broadcast %jit3A_174 : i32 to vector<512x256xi32>
      %select_n3A_176 = arith.select %and3A_169, %add3A_173, %broadcast_in_dim3A_175 : vector<512x256xi1>, vector<512x256xi32>
      %add3A_177 = arith.constant 1 : i32
      %add3A_178 = arith.addi %while3A_73, %add3A_177 : i32
      %reduce_min3A = arith.constant dense<2147483647> : vector<256xi32>
      %reduce_min3A_179 = vector.multi_reduction <minsi>, %select_n3A_176, %reduce_min3A [0] : vector<512x256xi32> to vector<256xi32>
      %min3A_180 = arith.minsi %while3A_74, %reduce_min3A_179 : vector<256xi32>
      scf.yield %add3A_178, %min3A_180 : i32, vector<256xi32>
    }
    %gt3A_62 = arith.constant 8.000000e-01 : f32
    %gt3A_63 = vector.broadcast %gt3A_62 : f32 to vector<256xf32>
    %gt3A_64 = arith.cmpf ogt, %get3A_3, %gt3A_63 : vector<256xf32>
    %jit3A_65 = arith.constant -1 : i32
    %broadcast_in_dim3A_66 = vector.broadcast %jit3A_65 : i32 to vector<256xi32>
    %select_n3A_67 = arith.select %gt3A_64, %while3A_61#1, %broadcast_in_dim3A_66 : vector<256xi1>, vector<256xi32>
    %swap3A = arith.constant 0 : index
    %swap3A_68 = arith.constant 0 : index
    %swap3A_69 = arith.constant 0 : index
    %swap3A_70 = vector.load %arg12[%swap3A, %swap3A_68, %swap3A_69] : memref<1x1x256xi32, #tpu.memory_space<vmem>>, vector<1x1x256xi32>
    %swap3A_71 = vector.shape_cast %swap3A_70 : vector<1x1x256xi32> to vector<256xi32>
    %swap3A_72 = vector.shape_cast %select_n3A_67 : vector<256xi32> to vector<1x1x256xi32>
    tpu.vector_store %arg12[%swap3A, %swap3A_68, %swap3A_69], %swap3A_72 {strides = array<i32>} : memref<1x1x256xi32, #tpu.memory_space<vmem>>, vector<1x1x256xi32>,
    return
  }
  func.func @transform_0(%arg0: i32, %arg1: i32) -> (i32, i32, i32) {
    %mul3A = arith.constant 20 : i32
    %mul3A_0 = arith.muli %arg0, %mul3A : i32
    %add3A = arith.addi %mul3A_0, %arg1 : i32
    %c0_i32 = arith.constant 0 : i32
    %c0_i32_1 = arith.constant 0 : i32
    %c0_i32_2 = arith.constant 0 : i32
    return %add3A, %c0_i32, %c0_i32_1 : i32, i32, i32
  }
  func.func @transform_1(%arg0: i32, %arg1: i32) -> (i32, i32, i32) {
    %mul3A = arith.constant 20 : i32
    %mul3A_0 = arith.muli %arg0, %mul3A : i32
    %add3A = arith.addi %mul3A_0, %arg1 : i32
    %c0_i32 = arith.constant 0 : i32
    %c0_i32_1 = arith.constant 0 : i32
    %c0_i32_2 = arith.constant 0 : i32
    return %add3A, %c0_i32, %c0_i32_1 : i32, i32, i32
  }
  func.func @transform_2(%arg0: i32, %arg1: i32) -> (i32, i32, i32) {
    %mul3A = arith.constant 20 : i32
    %mul3A_0 = arith.muli %arg0, %mul3A : i32
    %add3A = arith.addi %mul3A_0, %arg1 : i32
    %c0_i32 = arith.constant 0 : i32
    %c0_i32_1 = arith.constant 0 : i32
    %c0_i32_2 = arith.constant 0 : i32
    return %add3A, %c0_i32, %c0_i32_1 : i32, i32, i32
  }
  func.func @transform_3(%arg0: i32, %arg1: i32) -> (i32, i32, i32) {
    %mul3A = arith.constant 20 : i32
    %mul3A_0 = arith.muli %arg0, %mul3A : i32
    %add3A = arith.addi %mul3A_0, %arg1 : i32
    %c0_i32 = arith.constant 0 : i32
    %c0_i32_1 = arith.constant 0 : i32
    %c0_i32_2 = arith.constant 0 : i32
    return %add3A, %c0_i32, %c0_i32_1 : i32, i32, i32
  }
  func.func @transform_4(%arg0: i32, %arg1: i32) -> (i32, i32, i32) {
    %mul3A = arith.constant 20 : i32
    %mul3A_0 = arith.muli %arg0, %mul3A : i32
    %add3A = arith.addi %mul3A_0, %arg1 : i32
    %c0_i32 = arith.constant 0 : i32
    %c0_i32_1 = arith.constant 0 : i32
    %c0_i32_2 = arith.constant 0 : i32
    return %add3A, %c0_i32, %c0_i32_1 : i32, i32, i32
  }
  func.func @transform_5(%arg0: i32, %arg1: i32) -> (i32, i32, i32) {
    %c0_i32 = arith.constant 0 : i32
    %c0_i32_0 = arith.constant 0 : i32
    %c0_i32_1 = arith.constant 0 : i32
    return %arg0, %c0_i32, %c0_i32_0 : i32, i32, i32
  }
  func.func @transform_6(%arg0: i32, %arg1: i32) -> (i32, i32, i32) {
    %c0_i32 = arith.constant 0 : i32
    %c0_i32_0 = arith.constant 0 : i32
    %c0_i32_1 = arith.constant 0 : i32
    return %arg0, %c0_i32, %c0_i32_0 : i32, i32, i32
  }
  func.func @transform_7(%arg0: i32, %arg1: i32) -> (i32, i32, i32) {
    %c0_i32 = arith.constant 0 : i32
    %c0_i32_0 = arith.constant 0 : i32
    %c0_i32_1 = arith.constant 0 : i32
    return %arg0, %c0_i32, %c0_i32_0 : i32, i32, i32
  }
  func.func @transform_8(%arg0: i32, %arg1: i32) -> (i32, i32, i32) {
    %c0_i32 = arith.constant 0 : i32
    %c0_i32_0 = arith.constant 0 : i32
    %c0_i32_1 = arith.constant 0 : i32
    return %arg0, %c0_i32, %c0_i32_0 : i32, i32, i32
  }
  func.func @transform_9(%arg0: i32, %arg1: i32) -> (i32, i32, i32) {
    %c0_i32 = arith.constant 0 : i32
    %c0_i32_0 = arith.constant 0 : i32
    %c0_i32_1 = arith.constant 0 : i32
    return %arg0, %c0_i32, %c0_i32_0 : i32, i32, i32
  }
  func.func @transform_10(%arg0: i32, %arg1: i32) -> (i32, i32, i32) {
    %mul3A = arith.constant 20 : i32
    %mul3A_0 = arith.muli %arg0, %mul3A : i32
    %add3A = arith.addi %mul3A_0, %arg1 : i32
    %c0_i32 = arith.constant 0 : i32
    %c0_i32_1 = arith.constant 0 : i32
    %c0_i32_2 = arith.constant 0 : i32
    return %add3A, %c0_i32, %c0_i32_1 : i32, i32, i32
  }
}

module attributes {stable_mosaic.version = 14 : i64} {
  func.func @_select_body(%arg0: i32, %arg1: i32, %arg2: memref<1x1x256xf32, #tpu.memory_space<vmem>>, %arg3: memref<1x5120x1xi32, #tpu.memory_space<vmem>>, %arg4: memref<1x5120x1xf32, #tpu.memory_space<vmem>>, %arg5: memref<1x1x1xi32, #tpu.memory_space<vmem>>, %arg6: memref<8x20xi32, #tpu.memory_space<smem>>, %arg7: memref<8x20x10xi32, #tpu.memory_space<smem>>, %arg8: memref<1x1x256xi32, #tpu.memory_space<vmem>>, %arg9: memref<1x1x256xi32, #tpu.memory_space<vmem>>, %arg10: memref<1x1x256xi32, #tpu.memory_space<vmem>>, %arg11: memref<1x1x256xi32, #tpu.memory_space<vmem>>, %arg12: memref<1x1x256xi32, #tpu.memory_space<vmem>>, %arg13: memref<1x1x256xi32, #tpu.memory_space<vmem>>, %arg14: memref<1x1x256xi32, #tpu.memory_space<vmem>>) attributes {dimension_semantics = [#tpu.dimension_semantics<arbitrary>, #tpu.dimension_semantics<arbitrary>], iteration_bounds = array<i64: 8, 20>, scalar_prefetch = 0 : i64, scratch_operands = 0 : i64, tpu.core_type = #tpu.core_type<tc>, window_params = [{transform_indices = @transform_0, window_bounds = array<i64: 1, 1, 256>}, {transform_indices = @transform_1, window_bounds = array<i64: 1, 5120, 1>}, {transform_indices = @transform_2, window_bounds = array<i64: 1, 5120, 1>}, {transform_indices = @transform_3, window_bounds = array<i64: 1, 1, 1>}, {transform_indices = @transform_4, window_bounds = array<i64: 8, 20>}, {transform_indices = @transform_5, window_bounds = array<i64: 8, 20, 10>}, {transform_indices = @transform_6, window_bounds = array<i64: 1, 1, 256>}, {transform_indices = @transform_7, window_bounds = array<i64: 1, 1, 256>}, {transform_indices = @transform_8, window_bounds = array<i64: 1, 1, 256>}, {transform_indices = @transform_9, window_bounds = array<i64: 1, 1, 256>}, {transform_indices = @transform_10, window_bounds = array<i64: 1, 1, 256>}, {transform_indices = @transform_11, window_bounds = array<i64: 1, 1, 256>}, {transform_indices = @transform_12, window_bounds = array<i64: 1, 1, 256>}]} {
    %get3A = arith.constant 0 : index
    %get3A_0 = arith.constant 0 : index
    %get3A_1 = arith.constant 0 : index
    %get3A_2 = vector.load %arg2[%get3A, %get3A_0, %get3A_1] : memref<1x1x256xf32, #tpu.memory_space<vmem>>, vector<1x1x256xf32>
    %get3A_3 = vector.shape_cast %get3A_2 : vector<1x1x256xf32> to vector<256xf32>
    %broadcast_in_dim3A = arith.constant 0x7F800000 : f32
    %broadcast_in_dim3A_4 = vector.broadcast %broadcast_in_dim3A : f32 to vector<256xf32>
    %broadcast_in_dim3A_5 = arith.constant 1073741824 : i32
    %broadcast_in_dim3A_6 = vector.broadcast %broadcast_in_dim3A_5 : i32 to vector<256xi32>
    %broadcast_in_dim3A_7 = arith.constant 0x7F800000 : f32
    %broadcast_in_dim3A_8 = vector.broadcast %broadcast_in_dim3A_7 : f32 to vector<256xf32>
    %broadcast_in_dim3A_9 = arith.constant 1073741824 : i32
    %broadcast_in_dim3A_10 = vector.broadcast %broadcast_in_dim3A_9 : i32 to vector<256xi32>
    %broadcast_in_dim3A_11 = arith.constant 0x7F800000 : f32
    %broadcast_in_dim3A_12 = vector.broadcast %broadcast_in_dim3A_11 : f32 to vector<256xf32>
    %broadcast_in_dim3A_13 = arith.constant 1073741824 : i32
    %broadcast_in_dim3A_14 = vector.broadcast %broadcast_in_dim3A_13 : i32 to vector<256xi32>
    %get3A_15 = arith.index_cast %arg0 : i32 to index
    %get3A_16 = arith.index_cast %arg1 : i32 to index
    %get3A_17 = memref.load %arg6[%get3A_15, %get3A_16] : memref<8x20xi32, #tpu.memory_space<smem>>
    %while3A = arith.constant 0 : i32
    %while3A_18 = arith.subi %get3A_17, %while3A : i32
    %while3A_19 = arith.addi %while3A, %while3A_18 : i32
    %while3A_20 = arith.constant 1 : i32
    %while3A_21 = arith.divsi %while3A_18, %while3A_20 : i32
    %while3A_22 = arith.muli %while3A_21, %while3A_20 : i32
    %while3A_23 = arith.addi %while3A, %while3A_22 : i32
    %while3A_24 = arith.constant 1 : i32
    %while3A_25:6 = scf.for %while3A_113 = %while3A to %while3A_23 step %while3A_24 iter_args(%while3A_114 = %broadcast_in_dim3A_4, %while3A_115 = %broadcast_in_dim3A_6, %while3A_116 = %broadcast_in_dim3A_8, %while3A_117 = %broadcast_in_dim3A_10, %while3A_118 = %broadcast_in_dim3A_12, %while3A_119 = %broadcast_in_dim3A_14) -> (vector<256xf32>, vector<256xi32>, vector<256xf32>, vector<256xi32>, vector<256xf32>, vector<256xi32>)  : i32 {
      %get3A_120 = arith.index_cast %arg0 : i32 to index
      %get3A_121 = arith.index_cast %arg1 : i32 to index
      %get3A_122 = arith.index_cast %while3A_113 : i32 to index
      %get3A_123 = memref.load %arg7[%get3A_120, %get3A_121, %get3A_122] : memref<8x20x10xi32, #tpu.memory_space<smem>>
      %mul3A = arith.constant 512 : i32
      %mul3A_124 = arith.muli %get3A_123, %mul3A : i32
      %get3A_125 = arith.constant 0 : index
      %get3A_126 = arith.index_cast %mul3A_124 : i32 to index
      %get3A_127 = arith.constant 0 : index
      %get3A_128 = vector.load %arg3[%get3A_125, %get3A_126, %get3A_127] : memref<1x5120x1xi32, #tpu.memory_space<vmem>>, vector<1x512x1xi32>
      %get3A_129 = vector.shape_cast %get3A_128 : vector<1x512x1xi32> to vector<512x1xi32>
      %get3A_130 = arith.constant 0 : index
      %get3A_131 = arith.index_cast %mul3A_124 : i32 to index
      %get3A_132 = arith.constant 0 : index
      %get3A_133 = vector.load %arg4[%get3A_130, %get3A_131, %get3A_132] : memref<1x5120x1xf32, #tpu.memory_space<vmem>>, vector<1x512x1xf32>
      %get3A_134 = vector.shape_cast %get3A_133 : vector<1x512x1xf32> to vector<512x1xf32>
      %iota3A = tpu.iota {dimensions = array<i32: 1>} : vector<512x256xi32>
      %mul3A_135 = arith.constant 256 : i32
      %mul3A_136 = arith.muli %arg1, %mul3A_135 : i32
      %add3A_137 = vector.broadcast %mul3A_136 : i32 to vector<512x256xi32>
      %add3A_138 = arith.addi %iota3A, %add3A_137 : vector<512x256xi32>
      %eq3A = vector.broadcast %get3A_129 : vector<512x1xi32> to vector<512x256xi32>
      %eq3A_139 = arith.cmpi eq, %eq3A, %add3A_138 : vector<512x256xi32>
      %ne3A = arith.constant 0.000000e+00 : f32
      %ne3A_140 = vector.broadcast %ne3A : f32 to vector<512x1xf32>
      %ne3A_141 = arith.cmpf one, %get3A_134, %ne3A_140 : vector<512x1xf32>
      %and3A_142 = vector.broadcast %ne3A_141 : vector<512x1xi1> to vector<512x256xi1>
      %and3A_143 = arith.andi %eq3A_139, %and3A_142 : vector<512x256xi1>
      %jit3A_144 = arith.constant 0x7F800000 : f32
      %broadcast_in_dim3A_145 = vector.shape_cast %get3A_134 : vector<512x1xf32> to vector<512x1xf32>
      %broadcast_in_dim3A_146 = vector.broadcast %broadcast_in_dim3A_145 : vector<512x1xf32> to vector<512x256xf32>
      %broadcast_in_dim3A_147 = vector.broadcast %jit3A_144 : f32 to vector<512x256xf32>
      %select_n3A_148 = arith.select %and3A_143, %broadcast_in_dim3A_146, %broadcast_in_dim3A_147 : vector<512x256xi1>, vector<512x256xf32>
      %iota3A_149 = tpu.iota {dimensions = array<i32: 0>} : vector<512x256xi32>
      %mul3A_150 = arith.constant 512 : i32
      %mul3A_151 = arith.muli %get3A_123, %mul3A_150 : i32
      %add3A_152 = vector.broadcast %mul3A_151 : i32 to vector<512x256xi32>
      %add3A_153 = arith.addi %iota3A_149, %add3A_152 : vector<512x256xi32>
      %reduce_min3A = arith.constant dense<0x7F800000> : vector<256xf32>
      %reduce_min3A_154 = vector.multi_reduction <minimumf>, %select_n3A_148, %reduce_min3A [0] : vector<512x256xf32> to vector<256xf32>
      %broadcast_in_dim3A_155 = vector.shape_cast %reduce_min3A_154 : vector<256xf32> to vector<1x256xf32>
      %eq3A_156 = vector.broadcast %broadcast_in_dim3A_155 : vector<1x256xf32> to vector<512x256xf32>
      %eq3A_157 = arith.cmpf oeq, %select_n3A_148, %eq3A_156 : vector<512x256xf32>
      %jit3A_158 = arith.constant 1073741824 : i32
      %broadcast_in_dim3A_159 = vector.broadcast %jit3A_158 : i32 to vector<512x256xi32>
      %select_n3A_160 = arith.select %eq3A_157, %add3A_153, %broadcast_in_dim3A_159 : vector<512x256xi1>, vector<512x256xi32>
      %reduce_min3A_161 = arith.constant dense<2147483647> : vector<256xi32>
      %reduce_min3A_162 = vector.multi_reduction <minsi>, %select_n3A_160, %reduce_min3A_161 [0] : vector<512x256xi32> to vector<256xi32>
      %broadcast_in_dim3A_163 = vector.shape_cast %reduce_min3A_162 : vector<256xi32> to vector<1x256xi32>
      %eq3A_164 = vector.broadcast %broadcast_in_dim3A_163 : vector<1x256xi32> to vector<512x256xi32>
      %eq3A_165 = arith.cmpi eq, %add3A_153, %eq3A_164 : vector<512x256xi32>
      %jit3A_166 = arith.constant 0x7F800000 : f32
      %broadcast_in_dim3A_167 = vector.broadcast %jit3A_166 : f32 to vector<512x256xf32>
      %select_n3A_168 = arith.select %eq3A_165, %broadcast_in_dim3A_167, %select_n3A_148 : vector<512x256xi1>, vector<512x256xf32>
      %reduce_min3A_169 = arith.constant dense<0x7F800000> : vector<256xf32>
      %reduce_min3A_170 = vector.multi_reduction <minimumf>, %select_n3A_168, %reduce_min3A_169 [0] : vector<512x256xf32> to vector<256xf32>
      %broadcast_in_dim3A_171 = vector.shape_cast %reduce_min3A_170 : vector<256xf32> to vector<1x256xf32>
      %eq3A_172 = vector.broadcast %broadcast_in_dim3A_171 : vector<1x256xf32> to vector<512x256xf32>
      %eq3A_173 = arith.cmpf oeq, %select_n3A_168, %eq3A_172 : vector<512x256xf32>
      %jit3A_174 = arith.constant 1073741824 : i32
      %broadcast_in_dim3A_175 = vector.broadcast %jit3A_174 : i32 to vector<512x256xi32>
      %select_n3A_176 = arith.select %eq3A_173, %add3A_153, %broadcast_in_dim3A_175 : vector<512x256xi1>, vector<512x256xi32>
      %reduce_min3A_177 = arith.constant dense<2147483647> : vector<256xi32>
      %reduce_min3A_178 = vector.multi_reduction <minsi>, %select_n3A_176, %reduce_min3A_177 [0] : vector<512x256xi32> to vector<256xi32>
      %broadcast_in_dim3A_179 = vector.shape_cast %reduce_min3A_178 : vector<256xi32> to vector<1x256xi32>
      %eq3A_180 = vector.broadcast %broadcast_in_dim3A_179 : vector<1x256xi32> to vector<512x256xi32>
      %eq3A_181 = arith.cmpi eq, %add3A_153, %eq3A_180 : vector<512x256xi32>
      %jit3A_182 = arith.constant 0x7F800000 : f32
      %broadcast_in_dim3A_183 = vector.broadcast %jit3A_182 : f32 to vector<512x256xf32>
      %select_n3A_184 = arith.select %eq3A_181, %broadcast_in_dim3A_183, %select_n3A_168 : vector<512x256xi1>, vector<512x256xf32>
      %reduce_min3A_185 = arith.constant dense<0x7F800000> : vector<256xf32>
      %reduce_min3A_186 = vector.multi_reduction <minimumf>, %select_n3A_184, %reduce_min3A_185 [0] : vector<512x256xf32> to vector<256xf32>
      %broadcast_in_dim3A_187 = vector.shape_cast %reduce_min3A_186 : vector<256xf32> to vector<1x256xf32>
      %eq3A_188 = vector.broadcast %broadcast_in_dim3A_187 : vector<1x256xf32> to vector<512x256xf32>
      %eq3A_189 = arith.cmpf oeq, %select_n3A_184, %eq3A_188 : vector<512x256xf32>
      %jit3A_190 = arith.constant 1073741824 : i32
      %broadcast_in_dim3A_191 = vector.broadcast %jit3A_190 : i32 to vector<512x256xi32>
      %select_n3A_192 = arith.select %eq3A_189, %add3A_153, %broadcast_in_dim3A_191 : vector<512x256xi1>, vector<512x256xi32>
      %reduce_min3A_193 = arith.constant dense<2147483647> : vector<256xi32>
      %reduce_min3A_194 = vector.multi_reduction <minsi>, %select_n3A_192, %reduce_min3A_193 [0] : vector<512x256xi32> to vector<256xi32>
      %lt3A_195 = arith.cmpf olt, %reduce_min3A_154, %while3A_114 : vector<256xf32>
      %lt3A_196 = arith.cmpf olt, %reduce_min3A_154, %while3A_116 : vector<256xf32>
      %lt3A_197 = arith.cmpf olt, %reduce_min3A_154, %while3A_118 : vector<256xf32>
      %select_n3A_198 = arith.select %lt3A_196, %while3A_116, %reduce_min3A_154 : vector<256xi1>, vector<256xf32>
      %select_n3A_199 = arith.select %lt3A_197, %select_n3A_198, %while3A_118 : vector<256xi1>, vector<256xf32>
      %select_n3A_200 = arith.select %lt3A_196, %while3A_117, %reduce_min3A_162 : vector<256xi1>, vector<256xi32>
      %select_n3A_201 = arith.select %lt3A_197, %select_n3A_200, %while3A_119 : vector<256xi1>, vector<256xi32>
      %select_n3A_202 = arith.select %lt3A_195, %while3A_114, %reduce_min3A_154 : vector<256xi1>, vector<256xf32>
      %select_n3A_203 = arith.select %lt3A_196, %select_n3A_202, %while3A_116 : vector<256xi1>, vector<256xf32>
      %select_n3A_204 = arith.select %lt3A_195, %while3A_115, %reduce_min3A_162 : vector<256xi1>, vector<256xi32>
      %select_n3A_205 = arith.select %lt3A_196, %select_n3A_204, %while3A_117 : vector<256xi1>, vector<256xi32>
      %select_n3A_206 = arith.select %lt3A_195, %reduce_min3A_154, %while3A_114 : vector<256xi1>, vector<256xf32>
      %select_n3A_207 = arith.select %lt3A_195, %reduce_min3A_162, %while3A_115 : vector<256xi1>, vector<256xi32>
      %lt3A_208 = arith.cmpf olt, %reduce_min3A_170, %select_n3A_206 : vector<256xf32>
      %lt3A_209 = arith.cmpf olt, %reduce_min3A_170, %select_n3A_203 : vector<256xf32>
      %lt3A_210 = arith.cmpf olt, %reduce_min3A_170, %select_n3A_199 : vector<256xf32>
      %select_n3A_211 = arith.select %lt3A_209, %select_n3A_203, %reduce_min3A_170 : vector<256xi1>, vector<256xf32>
      %select_n3A_212 = arith.select %lt3A_210, %select_n3A_211, %select_n3A_199 : vector<256xi1>, vector<256xf32>
      %select_n3A_213 = arith.select %lt3A_209, %select_n3A_205, %reduce_min3A_178 : vector<256xi1>, vector<256xi32>
      %select_n3A_214 = arith.select %lt3A_210, %select_n3A_213, %select_n3A_201 : vector<256xi1>, vector<256xi32>
      %select_n3A_215 = arith.select %lt3A_208, %select_n3A_206, %reduce_min3A_170 : vector<256xi1>, vector<256xf32>
      %select_n3A_216 = arith.select %lt3A_209, %select_n3A_215, %select_n3A_203 : vector<256xi1>, vector<256xf32>
      %select_n3A_217 = arith.select %lt3A_208, %select_n3A_207, %reduce_min3A_178 : vector<256xi1>, vector<256xi32>
      %select_n3A_218 = arith.select %lt3A_209, %select_n3A_217, %select_n3A_205 : vector<256xi1>, vector<256xi32>
      %select_n3A_219 = arith.select %lt3A_208, %reduce_min3A_170, %select_n3A_206 : vector<256xi1>, vector<256xf32>
      %select_n3A_220 = arith.select %lt3A_208, %reduce_min3A_178, %select_n3A_207 : vector<256xi1>, vector<256xi32>
      %lt3A_221 = arith.cmpf olt, %reduce_min3A_186, %select_n3A_219 : vector<256xf32>
      %lt3A_222 = arith.cmpf olt, %reduce_min3A_186, %select_n3A_216 : vector<256xf32>
      %lt3A_223 = arith.cmpf olt, %reduce_min3A_186, %select_n3A_212 : vector<256xf32>
      %select_n3A_224 = arith.select %lt3A_222, %select_n3A_216, %reduce_min3A_186 : vector<256xi1>, vector<256xf32>
      %select_n3A_225 = arith.select %lt3A_223, %select_n3A_224, %select_n3A_212 : vector<256xi1>, vector<256xf32>
      %select_n3A_226 = arith.select %lt3A_222, %select_n3A_218, %reduce_min3A_194 : vector<256xi1>, vector<256xi32>
      %select_n3A_227 = arith.select %lt3A_223, %select_n3A_226, %select_n3A_214 : vector<256xi1>, vector<256xi32>
      %select_n3A_228 = arith.select %lt3A_221, %select_n3A_219, %reduce_min3A_186 : vector<256xi1>, vector<256xf32>
      %select_n3A_229 = arith.select %lt3A_222, %select_n3A_228, %select_n3A_216 : vector<256xi1>, vector<256xf32>
      %select_n3A_230 = arith.select %lt3A_221, %select_n3A_220, %reduce_min3A_194 : vector<256xi1>, vector<256xi32>
      %select_n3A_231 = arith.select %lt3A_222, %select_n3A_230, %select_n3A_218 : vector<256xi1>, vector<256xi32>
      %select_n3A_232 = arith.select %lt3A_221, %reduce_min3A_186, %select_n3A_219 : vector<256xi1>, vector<256xf32>
      %select_n3A_233 = arith.select %lt3A_221, %reduce_min3A_194, %select_n3A_220 : vector<256xi1>, vector<256xi32>
      scf.yield %select_n3A_232, %select_n3A_233, %select_n3A_229, %select_n3A_231, %select_n3A_225, %select_n3A_227 : vector<256xf32>, vector<256xi32>, vector<256xf32>, vector<256xi32>, vector<256xf32>, vector<256xi32>
    }
    %while3A_26 = arith.constant 1 : i32
    %while3A_27:6 = scf.for %while3A_113 = %while3A_23 to %while3A_19 step %while3A_26 iter_args(%while3A_114 = %while3A_25#0, %while3A_115 = %while3A_25#1, %while3A_116 = %while3A_25#2, %while3A_117 = %while3A_25#3, %while3A_118 = %while3A_25#4, %while3A_119 = %while3A_25#5) -> (vector<256xf32>, vector<256xi32>, vector<256xf32>, vector<256xi32>, vector<256xf32>, vector<256xi32>)  : i32 {
      %get3A_120 = arith.index_cast %arg0 : i32 to index
      %get3A_121 = arith.index_cast %arg1 : i32 to index
      %get3A_122 = arith.index_cast %while3A_113 : i32 to index
      %get3A_123 = memref.load %arg7[%get3A_120, %get3A_121, %get3A_122] : memref<8x20x10xi32, #tpu.memory_space<smem>>
      %mul3A = arith.constant 512 : i32
      %mul3A_124 = arith.muli %get3A_123, %mul3A : i32
      %get3A_125 = arith.constant 0 : index
      %get3A_126 = arith.index_cast %mul3A_124 : i32 to index
      %get3A_127 = arith.constant 0 : index
      %get3A_128 = vector.load %arg3[%get3A_125, %get3A_126, %get3A_127] : memref<1x5120x1xi32, #tpu.memory_space<vmem>>, vector<1x512x1xi32>
      %get3A_129 = vector.shape_cast %get3A_128 : vector<1x512x1xi32> to vector<512x1xi32>
      %get3A_130 = arith.constant 0 : index
      %get3A_131 = arith.index_cast %mul3A_124 : i32 to index
      %get3A_132 = arith.constant 0 : index
      %get3A_133 = vector.load %arg4[%get3A_130, %get3A_131, %get3A_132] : memref<1x5120x1xf32, #tpu.memory_space<vmem>>, vector<1x512x1xf32>
      %get3A_134 = vector.shape_cast %get3A_133 : vector<1x512x1xf32> to vector<512x1xf32>
      %iota3A = tpu.iota {dimensions = array<i32: 1>} : vector<512x256xi32>
      %mul3A_135 = arith.constant 256 : i32
      %mul3A_136 = arith.muli %arg1, %mul3A_135 : i32
      %add3A_137 = vector.broadcast %mul3A_136 : i32 to vector<512x256xi32>
      %add3A_138 = arith.addi %iota3A, %add3A_137 : vector<512x256xi32>
      %eq3A = vector.broadcast %get3A_129 : vector<512x1xi32> to vector<512x256xi32>
      %eq3A_139 = arith.cmpi eq, %eq3A, %add3A_138 : vector<512x256xi32>
      %ne3A = arith.constant 0.000000e+00 : f32
      %ne3A_140 = vector.broadcast %ne3A : f32 to vector<512x1xf32>
      %ne3A_141 = arith.cmpf one, %get3A_134, %ne3A_140 : vector<512x1xf32>
      %and3A_142 = vector.broadcast %ne3A_141 : vector<512x1xi1> to vector<512x256xi1>
      %and3A_143 = arith.andi %eq3A_139, %and3A_142 : vector<512x256xi1>
      %jit3A_144 = arith.constant 0x7F800000 : f32
      %broadcast_in_dim3A_145 = vector.shape_cast %get3A_134 : vector<512x1xf32> to vector<512x1xf32>
      %broadcast_in_dim3A_146 = vector.broadcast %broadcast_in_dim3A_145 : vector<512x1xf32> to vector<512x256xf32>
      %broadcast_in_dim3A_147 = vector.broadcast %jit3A_144 : f32 to vector<512x256xf32>
      %select_n3A_148 = arith.select %and3A_143, %broadcast_in_dim3A_146, %broadcast_in_dim3A_147 : vector<512x256xi1>, vector<512x256xf32>
      %iota3A_149 = tpu.iota {dimensions = array<i32: 0>} : vector<512x256xi32>
      %mul3A_150 = arith.constant 512 : i32
      %mul3A_151 = arith.muli %get3A_123, %mul3A_150 : i32
      %add3A_152 = vector.broadcast %mul3A_151 : i32 to vector<512x256xi32>
      %add3A_153 = arith.addi %iota3A_149, %add3A_152 : vector<512x256xi32>
      %reduce_min3A = arith.constant dense<0x7F800000> : vector<256xf32>
      %reduce_min3A_154 = vector.multi_reduction <minimumf>, %select_n3A_148, %reduce_min3A [0] : vector<512x256xf32> to vector<256xf32>
      %broadcast_in_dim3A_155 = vector.shape_cast %reduce_min3A_154 : vector<256xf32> to vector<1x256xf32>
      %eq3A_156 = vector.broadcast %broadcast_in_dim3A_155 : vector<1x256xf32> to vector<512x256xf32>
      %eq3A_157 = arith.cmpf oeq, %select_n3A_148, %eq3A_156 : vector<512x256xf32>
      %jit3A_158 = arith.constant 1073741824 : i32
      %broadcast_in_dim3A_159 = vector.broadcast %jit3A_158 : i32 to vector<512x256xi32>
      %select_n3A_160 = arith.select %eq3A_157, %add3A_153, %broadcast_in_dim3A_159 : vector<512x256xi1>, vector<512x256xi32>
      %reduce_min3A_161 = arith.constant dense<2147483647> : vector<256xi32>
      %reduce_min3A_162 = vector.multi_reduction <minsi>, %select_n3A_160, %reduce_min3A_161 [0] : vector<512x256xi32> to vector<256xi32>
      %broadcast_in_dim3A_163 = vector.shape_cast %reduce_min3A_162 : vector<256xi32> to vector<1x256xi32>
      %eq3A_164 = vector.broadcast %broadcast_in_dim3A_163 : vector<1x256xi32> to vector<512x256xi32>
      %eq3A_165 = arith.cmpi eq, %add3A_153, %eq3A_164 : vector<512x256xi32>
      %jit3A_166 = arith.constant 0x7F800000 : f32
      %broadcast_in_dim3A_167 = vector.broadcast %jit3A_166 : f32 to vector<512x256xf32>
      %select_n3A_168 = arith.select %eq3A_165, %broadcast_in_dim3A_167, %select_n3A_148 : vector<512x256xi1>, vector<512x256xf32>
      %reduce_min3A_169 = arith.constant dense<0x7F800000> : vector<256xf32>
      %reduce_min3A_170 = vector.multi_reduction <minimumf>, %select_n3A_168, %reduce_min3A_169 [0] : vector<512x256xf32> to vector<256xf32>
      %broadcast_in_dim3A_171 = vector.shape_cast %reduce_min3A_170 : vector<256xf32> to vector<1x256xf32>
      %eq3A_172 = vector.broadcast %broadcast_in_dim3A_171 : vector<1x256xf32> to vector<512x256xf32>
      %eq3A_173 = arith.cmpf oeq, %select_n3A_168, %eq3A_172 : vector<512x256xf32>
      %jit3A_174 = arith.constant 1073741824 : i32
      %broadcast_in_dim3A_175 = vector.broadcast %jit3A_174 : i32 to vector<512x256xi32>
      %select_n3A_176 = arith.select %eq3A_173, %add3A_153, %broadcast_in_dim3A_175 : vector<512x256xi1>, vector<512x256xi32>
      %reduce_min3A_177 = arith.constant dense<2147483647> : vector<256xi32>
      %reduce_min3A_178 = vector.multi_reduction <minsi>, %select_n3A_176, %reduce_min3A_177 [0] : vector<512x256xi32> to vector<256xi32>
      %broadcast_in_dim3A_179 = vector.shape_cast %reduce_min3A_178 : vector<256xi32> to vector<1x256xi32>
      %eq3A_180 = vector.broadcast %broadcast_in_dim3A_179 : vector<1x256xi32> to vector<512x256xi32>
      %eq3A_181 = arith.cmpi eq, %add3A_153, %eq3A_180 : vector<512x256xi32>
      %jit3A_182 = arith.constant 0x7F800000 : f32
      %broadcast_in_dim3A_183 = vector.broadcast %jit3A_182 : f32 to vector<512x256xf32>
      %select_n3A_184 = arith.select %eq3A_181, %broadcast_in_dim3A_183, %select_n3A_168 : vector<512x256xi1>, vector<512x256xf32>
      %reduce_min3A_185 = arith.constant dense<0x7F800000> : vector<256xf32>
      %reduce_min3A_186 = vector.multi_reduction <minimumf>, %select_n3A_184, %reduce_min3A_185 [0] : vector<512x256xf32> to vector<256xf32>
      %broadcast_in_dim3A_187 = vector.shape_cast %reduce_min3A_186 : vector<256xf32> to vector<1x256xf32>
      %eq3A_188 = vector.broadcast %broadcast_in_dim3A_187 : vector<1x256xf32> to vector<512x256xf32>
      %eq3A_189 = arith.cmpf oeq, %select_n3A_184, %eq3A_188 : vector<512x256xf32>
      %jit3A_190 = arith.constant 1073741824 : i32
      %broadcast_in_dim3A_191 = vector.broadcast %jit3A_190 : i32 to vector<512x256xi32>
      %select_n3A_192 = arith.select %eq3A_189, %add3A_153, %broadcast_in_dim3A_191 : vector<512x256xi1>, vector<512x256xi32>
      %reduce_min3A_193 = arith.constant dense<2147483647> : vector<256xi32>
      %reduce_min3A_194 = vector.multi_reduction <minsi>, %select_n3A_192, %reduce_min3A_193 [0] : vector<512x256xi32> to vector<256xi32>
      %lt3A_195 = arith.cmpf olt, %reduce_min3A_154, %while3A_114 : vector<256xf32>
      %lt3A_196 = arith.cmpf olt, %reduce_min3A_154, %while3A_116 : vector<256xf32>
      %lt3A_197 = arith.cmpf olt, %reduce_min3A_154, %while3A_118 : vector<256xf32>
      %select_n3A_198 = arith.select %lt3A_196, %while3A_116, %reduce_min3A_154 : vector<256xi1>, vector<256xf32>
      %select_n3A_199 = arith.select %lt3A_197, %select_n3A_198, %while3A_118 : vector<256xi1>, vector<256xf32>
      %select_n3A_200 = arith.select %lt3A_196, %while3A_117, %reduce_min3A_162 : vector<256xi1>, vector<256xi32>
      %select_n3A_201 = arith.select %lt3A_197, %select_n3A_200, %while3A_119 : vector<256xi1>, vector<256xi32>
      %select_n3A_202 = arith.select %lt3A_195, %while3A_114, %reduce_min3A_154 : vector<256xi1>, vector<256xf32>
      %select_n3A_203 = arith.select %lt3A_196, %select_n3A_202, %while3A_116 : vector<256xi1>, vector<256xf32>
      %select_n3A_204 = arith.select %lt3A_195, %while3A_115, %reduce_min3A_162 : vector<256xi1>, vector<256xi32>
      %select_n3A_205 = arith.select %lt3A_196, %select_n3A_204, %while3A_117 : vector<256xi1>, vector<256xi32>
      %select_n3A_206 = arith.select %lt3A_195, %reduce_min3A_154, %while3A_114 : vector<256xi1>, vector<256xf32>
      %select_n3A_207 = arith.select %lt3A_195, %reduce_min3A_162, %while3A_115 : vector<256xi1>, vector<256xi32>
      %lt3A_208 = arith.cmpf olt, %reduce_min3A_170, %select_n3A_206 : vector<256xf32>
      %lt3A_209 = arith.cmpf olt, %reduce_min3A_170, %select_n3A_203 : vector<256xf32>
      %lt3A_210 = arith.cmpf olt, %reduce_min3A_170, %select_n3A_199 : vector<256xf32>
      %select_n3A_211 = arith.select %lt3A_209, %select_n3A_203, %reduce_min3A_170 : vector<256xi1>, vector<256xf32>
      %select_n3A_212 = arith.select %lt3A_210, %select_n3A_211, %select_n3A_199 : vector<256xi1>, vector<256xf32>
      %select_n3A_213 = arith.select %lt3A_209, %select_n3A_205, %reduce_min3A_178 : vector<256xi1>, vector<256xi32>
      %select_n3A_214 = arith.select %lt3A_210, %select_n3A_213, %select_n3A_201 : vector<256xi1>, vector<256xi32>
      %select_n3A_215 = arith.select %lt3A_208, %select_n3A_206, %reduce_min3A_170 : vector<256xi1>, vector<256xf32>
      %select_n3A_216 = arith.select %lt3A_209, %select_n3A_215, %select_n3A_203 : vector<256xi1>, vector<256xf32>
      %select_n3A_217 = arith.select %lt3A_208, %select_n3A_207, %reduce_min3A_178 : vector<256xi1>, vector<256xi32>
      %select_n3A_218 = arith.select %lt3A_209, %select_n3A_217, %select_n3A_205 : vector<256xi1>, vector<256xi32>
      %select_n3A_219 = arith.select %lt3A_208, %reduce_min3A_170, %select_n3A_206 : vector<256xi1>, vector<256xf32>
      %select_n3A_220 = arith.select %lt3A_208, %reduce_min3A_178, %select_n3A_207 : vector<256xi1>, vector<256xi32>
      %lt3A_221 = arith.cmpf olt, %reduce_min3A_186, %select_n3A_219 : vector<256xf32>
      %lt3A_222 = arith.cmpf olt, %reduce_min3A_186, %select_n3A_216 : vector<256xf32>
      %lt3A_223 = arith.cmpf olt, %reduce_min3A_186, %select_n3A_212 : vector<256xf32>
      %select_n3A_224 = arith.select %lt3A_222, %select_n3A_216, %reduce_min3A_186 : vector<256xi1>, vector<256xf32>
      %select_n3A_225 = arith.select %lt3A_223, %select_n3A_224, %select_n3A_212 : vector<256xi1>, vector<256xf32>
      %select_n3A_226 = arith.select %lt3A_222, %select_n3A_218, %reduce_min3A_194 : vector<256xi1>, vector<256xi32>
      %select_n3A_227 = arith.select %lt3A_223, %select_n3A_226, %select_n3A_214 : vector<256xi1>, vector<256xi32>
      %select_n3A_228 = arith.select %lt3A_221, %select_n3A_219, %reduce_min3A_186 : vector<256xi1>, vector<256xf32>
      %select_n3A_229 = arith.select %lt3A_222, %select_n3A_228, %select_n3A_216 : vector<256xi1>, vector<256xf32>
      %select_n3A_230 = arith.select %lt3A_221, %select_n3A_220, %reduce_min3A_194 : vector<256xi1>, vector<256xi32>
      %select_n3A_231 = arith.select %lt3A_222, %select_n3A_230, %select_n3A_218 : vector<256xi1>, vector<256xi32>
      %select_n3A_232 = arith.select %lt3A_221, %reduce_min3A_186, %select_n3A_219 : vector<256xi1>, vector<256xf32>
      %select_n3A_233 = arith.select %lt3A_221, %reduce_min3A_194, %select_n3A_220 : vector<256xi1>, vector<256xi32>
      scf.yield %select_n3A_232, %select_n3A_233, %select_n3A_229, %select_n3A_231, %select_n3A_225, %select_n3A_227 : vector<256xf32>, vector<256xi32>, vector<256xf32>, vector<256xi32>, vector<256xf32>, vector<256xi32>
    }
    %get3A_28 = arith.constant 0 : index
    %get3A_29 = arith.constant 0 : index
    %get3A_30 = arith.constant 0 : index
    %get3A_31 = vector.load %arg5[%get3A_28, %get3A_29, %get3A_30] : memref<1x1x1xi32, #tpu.memory_space<vmem>>, vector<1x1x1xi32>
    %get3A_32 = vector.extract %get3A_31[0, 0, 0] : i32 from vector<1x1x1xi32>
    %min3A = arith.constant 3 : i32
    %min3A_33 = arith.minsi %min3A, %get3A_32 : i32
    %lt3A = arith.constant 0x7F800000 : f32
    %lt3A_34 = vector.broadcast %lt3A : f32 to vector<256xf32>
    %lt3A_35 = arith.cmpf olt, %while3A_27#0, %lt3A_34 : vector<256xf32>
    %ge3A = arith.constant 1 : i32
    %ge3A_36 = arith.cmpi sge, %min3A_33, %ge3A : i32
    %and3A = vector.broadcast %ge3A_36 : i1 to vector<256xi1>
    %and3A_37 = arith.andi %lt3A_35, %and3A : vector<256xi1>
    %lt3A_38 = arith.constant 0x7F800000 : f32
    %lt3A_39 = vector.broadcast %lt3A_38 : f32 to vector<256xf32>
    %lt3A_40 = arith.cmpf olt, %while3A_27#2, %lt3A_39 : vector<256xf32>
    %ge3A_41 = arith.constant 2 : i32
    %ge3A_42 = arith.cmpi sge, %min3A_33, %ge3A_41 : i32
    %and3A_43 = vector.broadcast %ge3A_42 : i1 to vector<256xi1>
    %and3A_44 = arith.andi %lt3A_40, %and3A_43 : vector<256xi1>
    %lt3A_45 = arith.constant 0x7F800000 : f32
    %lt3A_46 = vector.broadcast %lt3A_45 : f32 to vector<256xf32>
    %lt3A_47 = arith.cmpf olt, %while3A_27#4, %lt3A_46 : vector<256xf32>
    %ge3A_48 = arith.constant 3 : i32
    %ge3A_49 = arith.cmpi sge, %min3A_33, %ge3A_48 : i32
    %and3A_50 = vector.broadcast %ge3A_49 : i1 to vector<256xi1>
    %and3A_51 = arith.andi %lt3A_47, %and3A_50 : vector<256xi1>
    %convert_element_type3A = arith.extui %and3A_37 : vector<256xi1> to vector<256xi32>
    %convert_element_type3A_52 = arith.extui %and3A_44 : vector<256xi1> to vector<256xi32>
    %add3A = arith.addi %convert_element_type3A, %convert_element_type3A_52 : vector<256xi32>
    %convert_element_type3A_53 = arith.extui %and3A_51 : vector<256xi1> to vector<256xi32>
    %add3A_54 = arith.addi %add3A, %convert_element_type3A_53 : vector<256xi32>
    %gt3A = arith.constant 8.000000e-01 : f32
    %gt3A_55 = vector.broadcast %gt3A : f32 to vector<256xf32>
    %gt3A_56 = arith.cmpf ogt, %get3A_3, %gt3A_55 : vector<256xf32>
    %gt3A_57 = arith.constant 0 : i32
    %gt3A_58 = vector.broadcast %gt3A_57 : i32 to vector<256xi32>
    %gt3A_59 = arith.cmpi sgt, %add3A_54, %gt3A_58 : vector<256xi32>
    %and3A_60 = arith.andi %gt3A_56, %gt3A_59 : vector<256xi1>
    %jit3A = arith.constant 0 : i32
    %broadcast_in_dim3A_61 = vector.broadcast %jit3A : i32 to vector<256xi32>
    %select_n3A = arith.select %and3A_37, %while3A_27#1, %broadcast_in_dim3A_61 : vector<256xi1>, vector<256xi32>
    %swap3A = arith.constant 0 : index
    %swap3A_62 = arith.constant 0 : index
    %swap3A_63 = arith.constant 0 : index
    %swap3A_64 = vector.load %arg8[%swap3A, %swap3A_62, %swap3A_63] : memref<1x1x256xi32, #tpu.memory_space<vmem>>, vector<1x1x256xi32>
    %swap3A_65 = vector.shape_cast %swap3A_64 : vector<1x1x256xi32> to vector<256xi32>
    %swap3A_66 = vector.shape_cast %select_n3A : vector<256xi32> to vector<1x1x256xi32>
    tpu.vector_store %arg8[%swap3A, %swap3A_62, %swap3A_63], %swap3A_66 {strides = array<i32>} : memref<1x1x256xi32, #tpu.memory_space<vmem>>, vector<1x1x256xi32>,
    %jit3A_67 = arith.constant 0 : i32
    %broadcast_in_dim3A_68 = vector.broadcast %jit3A_67 : i32 to vector<256xi32>
    %select_n3A_69 = arith.select %and3A_44, %while3A_27#3, %broadcast_in_dim3A_68 : vector<256xi1>, vector<256xi32>
    %swap3A_70 = arith.constant 0 : index
    %swap3A_71 = arith.constant 0 : index
    %swap3A_72 = arith.constant 0 : index
    %swap3A_73 = vector.load %arg9[%swap3A_70, %swap3A_71, %swap3A_72] : memref<1x1x256xi32, #tpu.memory_space<vmem>>, vector<1x1x256xi32>
    %swap3A_74 = vector.shape_cast %swap3A_73 : vector<1x1x256xi32> to vector<256xi32>
    %swap3A_75 = vector.shape_cast %select_n3A_69 : vector<256xi32> to vector<1x1x256xi32>
    tpu.vector_store %arg9[%swap3A_70, %swap3A_71, %swap3A_72], %swap3A_75 {strides = array<i32>} : memref<1x1x256xi32, #tpu.memory_space<vmem>>, vector<1x1x256xi32>,
    %jit3A_76 = arith.constant 0 : i32
    %broadcast_in_dim3A_77 = vector.broadcast %jit3A_76 : i32 to vector<256xi32>
    %select_n3A_78 = arith.select %and3A_51, %while3A_27#5, %broadcast_in_dim3A_77 : vector<256xi1>, vector<256xi32>
    %swap3A_79 = arith.constant 0 : index
    %swap3A_80 = arith.constant 0 : index
    %swap3A_81 = arith.constant 0 : index
    %swap3A_82 = vector.load %arg10[%swap3A_79, %swap3A_80, %swap3A_81] : memref<1x1x256xi32, #tpu.memory_space<vmem>>, vector<1x1x256xi32>
    %swap3A_83 = vector.shape_cast %swap3A_82 : vector<1x1x256xi32> to vector<256xi32>
    %swap3A_84 = vector.shape_cast %select_n3A_78 : vector<256xi32> to vector<1x1x256xi32>
    tpu.vector_store %arg10[%swap3A_79, %swap3A_80, %swap3A_81], %swap3A_84 {strides = array<i32>} : memref<1x1x256xi32, #tpu.memory_space<vmem>>, vector<1x1x256xi32>,
    %convert_element_type3A_85 = arith.extui %and3A_37 : vector<256xi1> to vector<256xi32>
    %swap3A_86 = arith.constant 0 : index
    %swap3A_87 = arith.constant 0 : index
    %swap3A_88 = arith.constant 0 : index
    %swap3A_89 = vector.load %arg11[%swap3A_86, %swap3A_87, %swap3A_88] : memref<1x1x256xi32, #tpu.memory_space<vmem>>, vector<1x1x256xi32>
    %swap3A_90 = vector.shape_cast %swap3A_89 : vector<1x1x256xi32> to vector<256xi32>
    %swap3A_91 = vector.shape_cast %convert_element_type3A_85 : vector<256xi32> to vector<1x1x256xi32>
    tpu.vector_store %arg11[%swap3A_86, %swap3A_87, %swap3A_88], %swap3A_91 {strides = array<i32>} : memref<1x1x256xi32, #tpu.memory_space<vmem>>, vector<1x1x256xi32>,
    %convert_element_type3A_92 = arith.extui %and3A_44 : vector<256xi1> to vector<256xi32>
    %swap3A_93 = arith.constant 0 : index
    %swap3A_94 = arith.constant 0 : index
    %swap3A_95 = arith.constant 0 : index
    %swap3A_96 = vector.load %arg12[%swap3A_93, %swap3A_94, %swap3A_95] : memref<1x1x256xi32, #tpu.memory_space<vmem>>, vector<1x1x256xi32>
    %swap3A_97 = vector.shape_cast %swap3A_96 : vector<1x1x256xi32> to vector<256xi32>
    %swap3A_98 = vector.shape_cast %convert_element_type3A_92 : vector<256xi32> to vector<1x1x256xi32>
    tpu.vector_store %arg12[%swap3A_93, %swap3A_94, %swap3A_95], %swap3A_98 {strides = array<i32>} : memref<1x1x256xi32, #tpu.memory_space<vmem>>, vector<1x1x256xi32>,
    %convert_element_type3A_99 = arith.extui %and3A_51 : vector<256xi1> to vector<256xi32>
    %swap3A_100 = arith.constant 0 : index
    %swap3A_101 = arith.constant 0 : index
    %swap3A_102 = arith.constant 0 : index
    %swap3A_103 = vector.load %arg13[%swap3A_100, %swap3A_101, %swap3A_102] : memref<1x1x256xi32, #tpu.memory_space<vmem>>, vector<1x1x256xi32>
    %swap3A_104 = vector.shape_cast %swap3A_103 : vector<1x1x256xi32> to vector<256xi32>
    %swap3A_105 = vector.shape_cast %convert_element_type3A_99 : vector<256xi32> to vector<1x1x256xi32>
    tpu.vector_store %arg13[%swap3A_100, %swap3A_101, %swap3A_102], %swap3A_105 {strides = array<i32>} : memref<1x1x256xi32, #tpu.memory_space<vmem>>, vector<1x1x256xi32>,
    %convert_element_type3A_106 = arith.extui %and3A_60 : vector<256xi1> to vector<256xi32>
    %swap3A_107 = arith.constant 0 : index
    %swap3A_108 = arith.constant 0 : index
    %swap3A_109 = arith.constant 0 : index
    %swap3A_110 = vector.load %arg14[%swap3A_107, %swap3A_108, %swap3A_109] : memref<1x1x256xi32, #tpu.memory_space<vmem>>, vector<1x1x256xi32>
    %swap3A_111 = vector.shape_cast %swap3A_110 : vector<1x1x256xi32> to vector<256xi32>
    %swap3A_112 = vector.shape_cast %convert_element_type3A_106 : vector<256xi32> to vector<1x1x256xi32>
    tpu.vector_store %arg14[%swap3A_107, %swap3A_108, %swap3A_109], %swap3A_112 {strides = array<i32>} : memref<1x1x256xi32, #tpu.memory_space<vmem>>, vector<1x1x256xi32>,
    return
  }
  func.func @transform_0(%arg0: i32, %arg1: i32) -> (i32, i32, i32) {
    %mul3A = arith.constant 20 : i32
    %mul3A_0 = arith.muli %arg0, %mul3A : i32
    %add3A = arith.addi %mul3A_0, %arg1 : i32
    %c0_i32 = arith.constant 0 : i32
    %c0_i32_1 = arith.constant 0 : i32
    %c0_i32_2 = arith.constant 0 : i32
    return %add3A, %c0_i32, %c0_i32_1 : i32, i32, i32
  }
  func.func @transform_1(%arg0: i32, %arg1: i32) -> (i32, i32, i32) {
    %c0_i32 = arith.constant 0 : i32
    %c0_i32_0 = arith.constant 0 : i32
    %c0_i32_1 = arith.constant 0 : i32
    return %arg0, %c0_i32, %c0_i32_0 : i32, i32, i32
  }
  func.func @transform_2(%arg0: i32, %arg1: i32) -> (i32, i32, i32) {
    %c0_i32 = arith.constant 0 : i32
    %c0_i32_0 = arith.constant 0 : i32
    %c0_i32_1 = arith.constant 0 : i32
    return %arg0, %c0_i32, %c0_i32_0 : i32, i32, i32
  }
  func.func @transform_3(%arg0: i32, %arg1: i32) -> (i32, i32, i32) {
    %c0_i32 = arith.constant 0 : i32
    %c0_i32_0 = arith.constant 0 : i32
    %c0_i32_1 = arith.constant 0 : i32
    return %arg0, %c0_i32, %c0_i32_0 : i32, i32, i32
  }
  func.func @transform_4(%arg0: i32, %arg1: i32) -> (i32, i32) {
    %c0_i32 = arith.constant 0 : i32
    %c0_i32_0 = arith.constant 0 : i32
    %c0_i32_1 = arith.constant 0 : i32
    return %c0_i32, %c0_i32_0 : i32, i32
  }
  func.func @transform_5(%arg0: i32, %arg1: i32) -> (i32, i32, i32) {
    %c0_i32 = arith.constant 0 : i32
    %c0_i32_0 = arith.constant 0 : i32
    %c0_i32_1 = arith.constant 0 : i32
    %c0_i32_2 = arith.constant 0 : i32
    return %c0_i32, %c0_i32_0, %c0_i32_1 : i32, i32, i32
  }
  func.func @transform_6(%arg0: i32, %arg1: i32) -> (i32, i32, i32) {
    %mul3A = arith.constant 20 : i32
    %mul3A_0 = arith.muli %arg0, %mul3A : i32
    %add3A = arith.addi %mul3A_0, %arg1 : i32
    %c0_i32 = arith.constant 0 : i32
    %c0_i32_1 = arith.constant 0 : i32
    %c0_i32_2 = arith.constant 0 : i32
    return %add3A, %c0_i32, %c0_i32_1 : i32, i32, i32
  }
  func.func @transform_7(%arg0: i32, %arg1: i32) -> (i32, i32, i32) {
    %mul3A = arith.constant 20 : i32
    %mul3A_0 = arith.muli %arg0, %mul3A : i32
    %add3A = arith.addi %mul3A_0, %arg1 : i32
    %c0_i32 = arith.constant 0 : i32
    %c0_i32_1 = arith.constant 0 : i32
    %c0_i32_2 = arith.constant 0 : i32
    return %add3A, %c0_i32, %c0_i32_1 : i32, i32, i32
  }
  func.func @transform_8(%arg0: i32, %arg1: i32) -> (i32, i32, i32) {
    %mul3A = arith.constant 20 : i32
    %mul3A_0 = arith.muli %arg0, %mul3A : i32
    %add3A = arith.addi %mul3A_0, %arg1 : i32
    %c0_i32 = arith.constant 0 : i32
    %c0_i32_1 = arith.constant 0 : i32
    %c0_i32_2 = arith.constant 0 : i32
    return %add3A, %c0_i32, %c0_i32_1 : i32, i32, i32
  }
  func.func @transform_9(%arg0: i32, %arg1: i32) -> (i32, i32, i32) {
    %mul3A = arith.constant 20 : i32
    %mul3A_0 = arith.muli %arg0, %mul3A : i32
    %add3A = arith.addi %mul3A_0, %arg1 : i32
    %c0_i32 = arith.constant 0 : i32
    %c0_i32_1 = arith.constant 0 : i32
    %c0_i32_2 = arith.constant 0 : i32
    return %add3A, %c0_i32, %c0_i32_1 : i32, i32, i32
  }
  func.func @transform_10(%arg0: i32, %arg1: i32) -> (i32, i32, i32) {
    %mul3A = arith.constant 20 : i32
    %mul3A_0 = arith.muli %arg0, %mul3A : i32
    %add3A = arith.addi %mul3A_0, %arg1 : i32
    %c0_i32 = arith.constant 0 : i32
    %c0_i32_1 = arith.constant 0 : i32
    %c0_i32_2 = arith.constant 0 : i32
    return %add3A, %c0_i32, %c0_i32_1 : i32, i32, i32
  }
  func.func @transform_11(%arg0: i32, %arg1: i32) -> (i32, i32, i32) {
    %mul3A = arith.constant 20 : i32
    %mul3A_0 = arith.muli %arg0, %mul3A : i32
    %add3A = arith.addi %mul3A_0, %arg1 : i32
    %c0_i32 = arith.constant 0 : i32
    %c0_i32_1 = arith.constant 0 : i32
    %c0_i32_2 = arith.constant 0 : i32
    return %add3A, %c0_i32, %c0_i32_1 : i32, i32, i32
  }
  func.func @transform_12(%arg0: i32, %arg1: i32) -> (i32, i32, i32) {
    %mul3A = arith.constant 20 : i32
    %mul3A_0 = arith.muli %arg0, %mul3A : i32
    %add3A = arith.addi %mul3A_0, %arg1 : i32
    %c0_i32 = arith.constant 0 : i32
    %c0_i32_1 = arith.constant 0 : i32
    %c0_i32_2 = arith.constant 0 : i32
    return %add3A, %c0_i32, %c0_i32_1 : i32, i32, i32
  }
}

</mosaic_0001>

<sc_bundles>
// kernel: kernel.5.cloned.1.call-start
scs
__scs_entry_jumppad:
0x0: {  	(pc) =	sbr.rel $0x88, $3  }
0x1: {  	(tag) =	ssettag $0x0;
	lr =	simm.s32 $0x1  }
0x2: {  	[smem:$0x3F9D] =	sst lr;
	_ =	strace $0xD0000000  }
0x3: {  	_ = 	snop  }
0x4: {  	_ = 	snop  }
0x5: {  	_ = 	snop  }
0x6: {  	_ = 	snop  }
0x7: {  	_ = 	snop  }
__scs_overlays_trampoline_lowered:
0x8: {  	[smem:$0x3FAC] =	sst s0  }
0x9: {  	[smem:$0x3FAD] =	sst s1  }
0xa: {  	[smem:$0x3FAE] =	sst s2  }
0xb: {  	[smem:$0x3FAF] =	sst s3  }
0xc: {  	[smem:$0x3FB0] =	sst s4  }
0xd: {  	[smem:$0x3FB1] =	sst s5  }
0xe: {  	[smem:$0x3FB2] =	sst s6  }
0xf: {  	[smem:$0x3FB3] =	sst s7  }
0x10: {  	[smem:$0x3FB4] =	sst s8  }
0x11: {  	[smem:$0x3FB5] =	sst s9;
	s0 =	simm.s32 @!p0 $0x0  }
0x12: {  	s1 =	sld [smem:$0x3F9B];
	s0 =	simm.s32 @p0 $0x1  }
0x13: {  	[smem:$0x3FB6] =	sst s0;
	s0 =	simm.s32 @!p1 $0x0  }
0x14: {  	s2 =	sld [smem:$0x3F9A];
	s0 =	simm.s32 @p1 $0x1  }
0x15: {  	[smem:$0x3FB7] =	sst s0;
	s0 =	simm.s32 @!p2 $0x0  }
0x16: {  	s3 =	sld [smem:$0x3FDB];
	s0 =	simm.s32 @p2 $0x1  }
0x17: {  	s4 =	simm.s32 $0x1BF5;
	[smem:$0x3FB9] =	sst s0  }
0x18: {  	s0 =	sld [smem:$0x3F9C];
	_ =	swait.ge [sflag:s4], $0x0  }
0x19: {  	s7 =	sld [smem:$0x3F9D]  }
0x1a: {  	s8 =	sadd.s32 $0xFFFFE003, lr  }
0x1b: {  	s9 =	sadd.s32 $0xFFFFFEF7, lr;
	s5 =	simm.s32 $0xFFFFFFFF;
	p2 =	slt.u32 s8, $0xFFFFF086  }
0x1c: {  	p1 =	slt.u32 s9, $0xF7A;
	s5 =	simm.s32 @!p2 $0x0  }
0x1d: {  	s5 =	simm.s32 @p1 $0x1;
	p0 =	seq.s32 s7, s2  }
0x1e: {  	s7 =	smul.u32 @!p0 $0xF7A, s2;
	p2 =	seq.s32 @!p0 s5, $0x0  }
0x1f: {  	s9 =	smul.u32 $0xF7A, s1;
	s8 =	simm.s32 @!p0 $0x1BF5;
	p2 =	por !p2, p0  }
0x20: {  	[sflag:s8] =	ssyncset.s32 @!p0 $0xFFFFF086;
	s6 =	sadd.s32 @!p0 s3, s7;
	s7 =	simm.s32 @!p0 $0x108  }
0x21: {  	s3 =	sadd.s32 s3, s9;
	s6 =	sadd.s32 @!p0 $0x88, s6;
	s7 =	simm.s32 @p2 $0x1082  }
0x22: {  	[simem:s7], [sflag:s8] =	dma.local @!p0 [hbm:s6], $0xF7A  }
0x23: {  	s9 =	sor.u32 $0xD0000000, s2;
	s6 =	simm.s32 $0x108;
	_ =	swait.ge @!p0 [sflag:s8], $0x0  }
0x24: {  	s3 =	sadd.s32 $0x88, s3;
	s6 =	simm.s32 @!p1 $0x1082;
	[sflag:s4] =	ssyncset.s32 $0xFFFFF086  }
0x25: {  	[simem:s6], [sflag:s4] =	dma.local [hbm:s3], $0xF7A  }
0x26: {  	[smem:$0x3F9D] =	sst s1;
	(tag) =	ssettag s2;
	_ =	strace s9  }
0x27: {  	s1 =	sld [smem:$0x3FAD]  }
0x28: {  	s2 =	sld [smem:$0x3FAE]  }
0x29: {  	s4 =	sld [smem:$0x3FB0]  }
0x2a: {  	p0 =	seq.s32 s5, $0x0;
	s5 =	sld [smem:$0x3FB1]  }
0x2b: {  	s6 =	sld [smem:$0x3FB2]  }
0x2c: {  	s7 =	sld [smem:$0x3FB3]  }
0x2d: {  	s3 =	simm.s32 $0x108;
	s8 =	sld [smem:$0x3FB4]  }
0x2e: {  	s3 =	simm.s32 @!p0 $0x1082;
	s9 =	sld [smem:$0x3FB5]  }
0x2f: {  	lr =	sadd.s32 s0, s3;
	s0 =	sld [smem:$0x3FAC]  }
0x30: {  	s3 =	sld [smem:$0x3FAF]  }
0x31: {  	[smem:$0x3FB8] =	sst s10  }
0x32: {  	s10 =	sld [smem:$0x3FB6];
	_ =	sdelay $0x3  }
0x33: {  	p0 =	seq.s32 s10, $0x1;
	s10 =	sld [smem:$0x3FB8];
	_ =	sdelay $0x3  }
0x34: {  	[smem:$0x3FB8] =	sst s10  }
0x35: {  	s10 =	sld [smem:$0x3FB7];
	_ =	sdelay $0x3  }
0x36: {  	p1 =	seq.s32 s10, $0x1;
	s10 =	sld [smem:$0x3FB8];
	_ =	sdelay $0x3  }
0x37: {  	[smem:$0x3FB8] =	sst s10  }
0x38: {  	s10 =	sld [smem:$0x3FB9]  }
0x39: {  	_ = 	snop;
	(pc) =	sbr.ind lr, $3  }
0x3a: {  	_ = 	snop  }
0x3b: {  	_ = 	snop  }
0x3c: {  	p2 =	seq.s32 s10, $0x1;
	s10 =	sld [smem:$0x3FB8]  }
0x3d: {  	_ =	shalt  }
0x3e: {  	_ =	shalt  }
0x3f: {  	_ =	shalt  }
0x40: {  	_ =	shalt  }
0x41: {  	_ =	shalt  }
0x42: {  	_ =	shalt  }
0x43: {  	_ =	shalt  }
0x44: {  	_ =	shalt  }
0x45: {  	_ =	shalt  }
0x46: {  	_ =	shalt  }
0x47: {  	_ =	shalt  }
0x48: {  	_ =	shalt  }
0x49: {  	_ =	shalt  }
0x4a: {  	_ =	shalt  }
0x4b: {  	_ =	shalt  }
0x4c: {  	_ =	shalt  }
0x4d: {  	_ =	shalt  }
0x4e: {  	_ =	shalt  }
0x4f: {  	_ =	shalt  }
0x50: {  	_ =	shalt  }
0x51: {  	_ =	shalt  }
0x52: {  	_ =	shalt  }
0x53: {  	_ =	shalt  }
0x54: {  	_ =	shalt  }
0x55: {  	_ =	shalt  }
0x56: {  	_ =	shalt  }
0x57: {  	_ =	shalt  }
0x58: {  	_ =	shalt  }
0x59: {  	_ =	shalt  }
0x5a: {  	_ =	shalt  }
0x5b: {  	_ =	shalt  }
0x5c: {  	_ =	shalt  }
0x5d: {  	_ =	shalt  }
0x5e: {  	_ =	shalt  }
0x5f: {  	_ =	shalt  }
0x60: {  	_ =	shalt  }
0x61: {  	_ =	shalt  }
0x62: {  	_ =	shalt  }
0x63: {  	_ =	shalt  }
0x64: {  	_ =	shalt  }
0x65: {  	_ =	shalt  }
0x66: {  	_ =	shalt  }
0x67: {  	_ =	shalt  }
0x68: {  	_ =	shalt  }
0x69: {  	_ =	shalt  }
0x6a: {  	_ =	shalt  }
0x6b: {  	_ =	shalt  }
0x6c: {  	_ =	shalt  }
0x6d: {  	_ =	shalt  }
0x6e: {  	_ =	shalt  }
0x6f: {  	_ =	shalt  }
0x70: {  	_ =	shalt  }
0x71: {  	_ =	shalt  }
0x72: {  	_ =	shalt  }
0x73: {  	_ =	shalt  }
0x74: {  	_ =	shalt  }
0x75: {  	_ =	shalt  }
0x76: {  	_ =	shalt  }
0x77: {  	_ =	shalt  }
0x78: {  	_ =	shalt  }
0x79: {  	_ =	shalt  }
0x7a: {  	_ =	shalt  }
0x7b: {  	_ =	shalt  }
0x7c: {  	_ =	shalt  }
0x7d: {  	_ =	shalt  }
0x7e: {  	_ =	shalt  }
0x7f: {  	_ =	shalt  }
0x80: {  	_ =	shalt  }
0x81: {  	_ =	shalt  }
0x82: {  	_ =	shalt  }
0x83: {  	_ =	shalt  }
0x84: {  	_ =	shalt  }
0x85: {  	_ =	shalt  }
0x86: {  	_ =	shalt  }
0x87: {  	_ =	shalt  }
.Lfunc_end0:
.L_simem_size_0:
called_computation_lowered:
.L_overlay_start_0:
0x88: {  	s2 =	sld [smem:$0x3FD9]  }
0x89: {  	s3 =	sld [smem:$0x3FFE];
	_ =	sdelay $0x1  }
0x8a: {  	s1 =	srdreg.scid  }
0x8b: {  	s0 =	sand.u32 $0x1, s1  }
0x8c: {  	s16 =	sshll.u32 s0, $0xA;
	s2 =	sadd.s32 s3, s2  }
0x8d: {  	s2 =	sadd.s32 s2, s16  }
0x8e: {  	[smem:$0x3FC4] =	sst s2  }
0x8f: {  	_ = 	snop  }
0x90: {  	(tm) =	ssettm $0x1  }
0x91: {  	s17 =	sld [smem:$0x3FFB];
	_ =	sdelay $0x3  }
0x92: {  	_ =	strace s17  }
0x93: {  	s2 =	sld [smem:$0x3FFC];
	_ =	sdelay $0x3  }
0x94: {  	_ =	strace s2  }
0x95: {  	s2 =	sld [smem:$0x3FFD];
	_ =	sdelay $0x3  }
0x96: {  	_ =	strace s2  }
0x97: {  	_ =	strace $0x8FFFFFFF  }
0x98: {  	s18 =	sld [smem:$0x3FDB];
	_ =	sdelay $0x1  }
0x99: {  	s19 =	simm.s32 $_scs_section_size  }
0x9a: {  	s4 =	simm.s32 $_size__tile_overlayer_lowered;
	s5 =	simm.s32 $_tile_overlayer_lowered  }
0x9b: {  	s22 =	simm.s32 $0x1BFF;
	s21 =	sshll.u32 s5, $0x1;
	s2 =	sadd.s32 s19, s18  }
0x9c: {  	s6 =	simm.s32 $0x0;
	s20 =	sshll.u32 s4, $0x1;
	s4 =	sadd.s32 s21, s2  }
0x9d: {  	[timem:s6], [sflag:s22] =	dma.local [hbm:s4], s20  }
0x9e: {  	_ =	swait.ge [sflag:s22], s20  }
0x9f: {  	s3 =	ssub.s32 $0x0, s20;
	[sflag:s22] =	ssyncset.done $0x0  }
0xa0: {  	[sflag:s22] =	ssyncadd.s32 s3;
	_ =	sdelay $0x1  }
0xa1: {  	s23 =	simm.s32 $0x1B8B  }
0xa2: {  	_ =	swait.ge [sflag:s23], $0x1  }
0xa3: {  	[sflag:s23] =	ssyncset.done $0x0  }
0xa4: {  	s25 =	simm.s32 $0x1B8E;
	s24 =	sld [smem:$0x3FFE];
	[sflag:s23] =	ssyncadd.s32 $0xFFFFFFFF  }
0xa5: {  	s26 =	simm.s32 $execute0_lowered;
	[smem:$0x3FD2] =	sst s25  }
0xa6: {  	s4 =	sshll.u32 s26, $0x1;
	_ =	strace $0x80000046;
	[dreg:$0x1] =	wrdreg $0xFFFFFFFF  }
0xa7: {  	s28 =	simm.s32 $_size_execute0_lowered;
	s2 =	sadd.s32 s2, s4;
	[dreg:$0x0] =	wrdreg $0x0  }
0xa8: {  	s4 =	sshll.u32 s28, $0x1;
	[dreg:$0x2] =	wrdreg s2  }
0xa9: {  	[dreg:$0x3] =	wrdreg s4  }
0xaa: {  	[dreg:$0x4] =	wrdreg $0xC0  }
0xab: {  	_ =	task [dreg:s6], $0x5FFFF  }
0xac: {  	[dreg:$0x1] =	wrdreg $0xFFFFFFFF  }
0xad: {  	[dreg:$0x0] =	wrdreg $0x60  }
0xae: {  	[dreg:$0x2] =	wrdreg s24  }
0xaf: {  	[dreg:$0x3] =	wrdreg $0x9  }
0xb0: {  	_ =	task.clear_ibuf [dreg:s6], $0x4FFFF;
	_ =	strace $0x90000046  }
0xb1: {  	s29 =	simm.s32 $0x9;
	_ =	strace $0x80000048  }
0xb2: {  	_ =	swait.ge [sflag:s29], $0x1  }
0xb3: {  	[sflag:s29] =	ssyncadd.s32 $0xFFFFFFFF  }
0xb4: {  	_ =	strace $0x90000048  }
0xb5: {  	_ =	sfence  }
0xb6: {  	s30 =	sld [smem:$0x0];
	_ =	sdelay $0x2  }
0xb7: {  	s31 =	sshll.u32 s1, $0xD;
	s1 =	sshrl.u32 s1, $0x2  }
0xb8: {  	s3 =	sand.u32 $0x4000, s31;
	s1 =	sadd.s32 s1, s30  }
0xb9: {  	s0 =	sor.u32 s3, s0;
	s1 =	sshll.u32 s1, $0x11  }
0xba: {  	s0 =	sor.u32 s1, s0  }
0xbb: {  	s0 =	sadd.s32 $0x8F2B, s0  }
0xbc: {  	[sflag:s0] =	ssyncadd.remote.s32 $0x1  }
0xbd: {  	_ =	sfence.sel $0xFFFF  }
0xbe: {  	[dreg:$0x0] =	wrdreg $0xFFFFFFFF;
	(pc) =	sbr.abs _section_cstart, $3  }
0xbf: {  	[dreg:$0x1] =	wrdreg $0xFFFFFFFF  }
0xc0: {  	_ =	task.clear_ibuf [dreg:s6], $0x2FFFF;
	_ =	strace $0x9FFFFFFF  }
0xc1: {  	(tm) =	ssettm $0x7FFFFFFF  }
tec
execute0_lowered:
.L_overlay_start_1:
0x0: {  	(tag) =	ssettag $0x1  }
0x1: {  	s0 =	stileid.u32  }
0x2: {  	s1 =	srdreg.scid;
	s6 =	rddreg [dreg:$0x0]  }
0x3: {  	s12 =	simm.s32 $0x1;
	s2 =	sshll.u32 s0, $0x1;
	s3 =	sshrl.u32 s0, $0x1  }
0x4: {  	s4 =	sand.u32 $0x1, s1;
	s29 =	sand.u32 $0x2, s2;
	s5 =	smul.u32 $0x1400, s3  }
0x5: {  	s2 =	simm.s32 $0x0;
	s3 =	smul.u32 $0x1D4C, s3;
	s1 =	sor.u32 s4, s29  }
0x6: {  	s13 =	simm.s32 $0x10880;
	[smem:$0x7FF] =	sst s2;
	s7 =	smul.u32 $0x500, s1  }
0x7: {  	v0 =	vlaneseq.u32;
	s14 =	simm.s32 $0x0;
	s4 =	ssub.s32 $0x2, s4;
	s1 =	rddreg [dreg:$0x1]  }
0x8: {  	v0 =	vmul.u32 $0xC, v0;
	_ =	strace $0x80000047;
	s8 =	sadd.s32 s3, s6;
	s5 =	sadd.s32 s5, s7  }
0x9: {  	s31 =	sshrl.u32 s4, $0x1;
	s7 =	smul.u32 $0xC, s5;
	s5 =	sshrl.u32 s5, $0x3  }
0xa: {  	v1 =	vor.u32 $0x1, v0;
	v2 =	vor.u32 $0x2, v0;
	s11 =	ssub.s32 s4, s31;
	s4 =	sadd.s32 $0x7800, s8;
	s3 =	sadd.s32 s6, s5  }
0xb: {  	v3 =	vor.u32 $0x3, v0;
	v4 =	vadd.s32 $0x4, v0;
	v5 =	vadd.s32 $0x5, v0;
	s11 =	smax.u32 s11, $0x1;
	s30 =	sshrl.u32 s7, $0x3;
	s5 =	sadd.s32 $0x1400, s3  }
0xc: {  	v6 =	vadd.s32 $0x6, v0;
	v7 =	vadd.s32 $0x7, v0;
	v8 =	vadd.s32 $0x8, v0;
	s7 =	sadd.s32 $0x3C00, s3;
	s8 =	sadd.s32 $0x5000, s3;
	s10 =	sadd.s32 s30, s6  }
0xd: {  	v9 =	vadd.s32 $0x9, v0;
	v10 =	vadd.s32 $0xA, v0;
	v11 =	vadd.s32 $0xB, v0;
	s9 =	sadd.s32 $0x6400, s3;
	s6 =	sadd.s32 $0x2800, s3;
	s10 =	sadd.s32 $0x16400, s10  }
.LBB2_1:
0xe: {  	[tilespmem:s2], [sflag:$0x1] =	stream.linear.gather [hbm4b:s4+s2], $0xEA60, $0x38;
	[tilespmem:$0x14480] =	vst v63  }
0xf: {  	_ =	swait.ge [sflag:s12], $0xEA60  }
0x10: {  	[sflag:s12] =	ssyncset.done $0x0  }
0x11: {  	s15 =	simm.s32 $0xEA80;
	[sflag:s12] =	ssyncadd.s32 $0xFFFF15A0  }
0x12: {  	[tilespmem:s15], [sflag:$0x1] =	stream.linear.gather [hbm4b:s3+s2], $0x500, $0x38;
	[tilespmem:$0x14480] =	vst v63  }
0x13: {  	_ =	swait.ge [sflag:s12], $0x500  }
0x14: {  	[sflag:s12] =	ssyncset.done $0x0  }
0x15: {  	s16 =	simm.s32 $0xEF80;
	[sflag:s12] =	ssyncadd.s32 $0xFFFFFB00  }
0x16: {  	[tilespmem:s16], [sflag:$0x1] =	stream.linear.gather [hbm4b:s5+s2], $0x500, $0x38;
	[tilespmem:$0x14480] =	vst v63  }
0x17: {  	_ =	swait.ge [sflag:s12], $0x500  }
0x18: {  	[sflag:s12] =	ssyncset.done $0x0  }
0x19: {  	s17 =	simm.s32 $0xF480;
	[sflag:s12] =	ssyncadd.s32 $0xFFFFFB00  }
0x1a: {  	[tilespmem:s17], [sflag:$0x1] =	stream.linear.gather [hbm4b:s6+s2], $0x500, $0x38;
	[tilespmem:$0x14480] =	vst v63  }
0x1b: {  	_ =	swait.ge [sflag:s12], $0x500  }
0x1c: {  	[sflag:s12] =	ssyncset.done $0x0  }
0x1d: {  	s18 =	simm.s32 $0xF980;
	[sflag:s12] =	ssyncadd.s32 $0xFFFFFB00  }
0x1e: {  	[tilespmem:s18], [sflag:$0x1] =	stream.linear.gather [hbm4b:s7+s2], $0x500, $0x38;
	[tilespmem:$0x14480] =	vst v63  }
0x1f: {  	_ =	swait.ge [sflag:s12], $0x500  }
0x20: {  	[sflag:s12] =	ssyncset.done $0x0  }
0x21: {  	s19 =	simm.s32 $0xFE80;
	[sflag:s12] =	ssyncadd.s32 $0xFFFFFB00  }
0x22: {  	[tilespmem:s19], [sflag:$0x1] =	stream.linear.gather [hbm4b:s8+s2], $0x500, $0x38;
	[tilespmem:$0x14480] =	vst v63  }
0x23: {  	_ =	swait.ge [sflag:s12], $0x500  }
0x24: {  	[sflag:s12] =	ssyncset.done $0x0  }
0x25: {  	s20 =	simm.s32 $0x10380;
	[sflag:s12] =	ssyncadd.s32 $0xFFFFFB00  }
0x26: {  	[tilespmem:s20], [sflag:$0x1] =	stream.linear.gather [hbm4b:s9+s2], $0x500, $0x38;
	[tilespmem:$0x14480] =	vst v63  }
0x27: {  	_ =	swait.ge [sflag:s12], $0x500  }
0x28: {  	[sflag:s12] =	ssyncset.done $0x0  }
0x29: {  	[sflag:s12] =	ssyncadd.s32 $0xFFFFFB00  }
0x2a: {  	v15 =	vld [tilespmem:s15+$0x0]  }
0x2b: {  	v16 =	vld [tilespmem:s16+$0x0]  }
0x2c: {  	v12 =	vld [tilespmem:s19+$0x0]  }
0x2d: {  	v13 =	vld [tilespmem:s18+$0x0]  }
0x2e: {  	v19 =	vld [tilespmem:s17+$0x0]  }
0x2f: {  	v14 =	vld [tilespmem:s20+$0x0];
	v17 =	vmul.u32 $0xC, v15  }
0x30: {  	v18 =	vmul.u32 $0xC, v16;
	_ =	sdelay $0x1  }
0x31: {  	v15 =	vadd.f32 v12, v13  }
0x32: {  	v19 =	vmul.u32 $0xC, v19  }
0x33: {  	v15 =	vadd.f32 v14, v15  }
0x34: {  	v16 =	vld.idx.msk [tilespmem:v17+s2+$0x0], $0xffff  }
0x35: {  	vm0 =	veq.f32 v15, $0.0e+00;
	v20 =	vld.idx.msk [tilespmem:v18+s2+$0x0], $0xffff  }
0x36: {  	v15 =	vsel vm0, $0x3F800000, v15  }
0x37: {  	(erf) = vrcp.f32 v15  }
0x38: {  	v21 =	vld.idx.msk [tilespmem:v19+s2+$0x0], $0xffff;
	_ =	sdelay $0x1  }
0x39: {  	v15 =	vmov s2;
	v16 =	vmul.f32 v16, v13;
	v20 =	vmul.f32 v20, v12  }
0x3a: {  	v15 =	vmul.u32 $0xC, v15  }
0x3b: {  	v16 =	vadd.f32 v20, v16  }
0x3c: {  	v15 =	vbroadcast v15, $0x0;
	v20 =	vmul.f32 v21, v14;
	_ =	sdelay $0x1  }
0x3d: {  	v49 =	vadd.s32 v0, v15;
	v20 =	vadd.f32 v20, v16  }
0x3e: {  	v22 =	vor.u32 $0x1, v17;
	v16 =	vpop (erf)  }
0x3f: {  	v23 =	vor.u32 $0x1, v18;
	v20 =	vmul.f32 v20, v16;
	_ =	sdelay $0x1  }
0x40: {  	v24 =	vor.u32 $0x1, v19;
	v20 =	vsel vm0, $0x0, v20  }
0x41: {  	[tilespmem:v49+s13+$0x0] =	vst.idx.msk $0xffff, v20  }
0x42: {  	v20 =	vld.idx.msk [tilespmem:v22+s2+$0x0], $0xffff  }
0x43: {  	v21 =	vld.idx.msk [tilespmem:v23+s2+$0x0], $0xffff;
	_ =	sdelay $0x1  }
0x44: {  	v50 =	vld.idx.msk [tilespmem:v24+s2+$0x0], $0xffff;
	_ =	sdelay $0x2  }
0x45: {  	v20 =	vmul.f32 v20, v13;
	v21 =	vmul.f32 v21, v12;
	_ =	sdelay $0x1  }
0x46: {  	v22 =	vmul.f32 v50, v14;
	v20 =	vadd.f32 v21, v20;
	_ =	sdelay $0x1  }
0x47: {  	v51 =	vadd.s32 v1, v15;
	v20 =	vadd.f32 v22, v20  }
0x48: {  	v52 =	vor.u32 $0x2, v17  }
0x49: {  	v53 =	vor.u32 $0x2, v18;
	v20 =	vmul.f32 v20, v16;
	_ =	sdelay $0x1  }
0x4a: {  	v54 =	vor.u32 $0x2, v19;
	v20 =	vsel vm0, $0x0, v20  }
0x4b: {  	[tilespmem:v51+s13+$0x0] =	vst.idx.msk $0xffff, v20  }
0x4c: {  	v20 =	vld.idx.msk [tilespmem:v52+s2+$0x0], $0xffff  }
0x4d: {  	v21 =	vld.idx.msk [tilespmem:v53+s2+$0x0], $0xffff;
	_ =	sdelay $0x1  }
0x4e: {  	v55 =	vld.idx.msk [tilespmem:v54+s2+$0x0], $0xffff;
	_ =	sdelay $0x2  }
0x4f: {  	v20 =	vmul.f32 v20, v13;
	v21 =	vmul.f32 v21, v12;
	_ =	sdelay $0x1  }
0x50: {  	v22 =	vmul.f32 v55, v14;
	v20 =	vadd.f32 v21, v20;
	_ =	sdelay $0x1  }
0x51: {  	v56 =	vadd.s32 v2, v15;
	v20 =	vadd.f32 v22, v20  }
0x52: {  	v57 =	vor.u32 $0x3, v17  }
0x53: {  	v58 =	vor.u32 $0x3, v18;
	v20 =	vmul.f32 v20, v16;
	_ =	sdelay $0x1  }
0x54: {  	v59 =	vor.u32 $0x3, v19;
	v20 =	vsel vm0, $0x0, v20  }
0x55: {  	[tilespmem:v56+s13+$0x0] =	vst.idx.msk $0xffff, v20  }
0x56: {  	v20 =	vld.idx.msk [tilespmem:v57+s2+$0x0], $0xffff  }
0x57: {  	v21 =	vld.idx.msk [tilespmem:v58+s2+$0x0], $0xffff;
	_ =	sdelay $0x1  }
0x58: {  	v60 =	vld.idx.msk [tilespmem:v59+s2+$0x0], $0xffff;
	_ =	sdelay $0x2  }
0x59: {  	v20 =	vmul.f32 v20, v13;
	v21 =	vmul.f32 v21, v12;
	_ =	sdelay $0x1  }
0x5a: {  	v61 =	vmul.f32 v60, v14;
	v20 =	vadd.f32 v21, v20;
	_ =	sdelay $0x1  }
0x5b: {  	v62 =	vadd.s32 v3, v15;
	v20 =	vadd.f32 v61, v20  }
0x5c: {  	v63 =	vadd.s32 $0x4, v17  }
0x5d: {  	v28 =	vadd.s32 $0x4, v18;
	v20 =	vmul.f32 v20, v16;
	_ =	sdelay $0x1  }
0x5e: {  	v29 =	vadd.s32 $0x4, v19;
	v20 =	vsel vm0, $0x0, v20  }
0x5f: {  	[tilespmem:v62+s13+$0x0] =	vst.idx.msk $0xffff, v20  }
0x60: {  	v20 =	vld.idx.msk [tilespmem:v63+s2+$0x0], $0xffff  }
0x61: {  	v21 =	vld.idx.msk [tilespmem:v28+s2+$0x0], $0xffff;
	_ =	sdelay $0x1  }
0x62: {  	v30 =	vld.idx.msk [tilespmem:v29+s2+$0x0], $0xffff;
	_ =	sdelay $0x2  }
0x63: {  	v20 =	vmul.f32 v20, v13;
	v21 =	vmul.f32 v21, v12;
	_ =	sdelay $0x1  }
0x64: {  	v22 =	vmul.f32 v30, v14;
	v20 =	vadd.f32 v21, v20;
	_ =	sdelay $0x1  }
0x65: {  	v31 =	vadd.s32 v4, v15;
	v20 =	vadd.f32 v22, v20  }
0x66: {  	v32 =	vadd.s32 $0x5, v17  }
0x67: {  	v33 =	vadd.s32 $0x5, v18;
	v20 =	vmul.f32 v20, v16;
	_ =	sdelay $0x1  }
0x68: {  	v34 =	vadd.s32 $0x5, v19;
	v20 =	vsel vm0, $0x0, v20  }
0x69: {  	[tilespmem:v31+s13+$0x0] =	vst.idx.msk $0xffff, v20  }
0x6a: {  	v20 =	vld.idx.msk [tilespmem:v32+s2+$0x0], $0xffff  }
0x6b: {  	v21 =	vld.idx.msk [tilespmem:v33+s2+$0x0], $0xffff;
	_ =	sdelay $0x1  }
0x6c: {  	v35 =	vld.idx.msk [tilespmem:v34+s2+$0x0], $0xffff;
	_ =	sdelay $0x2  }
0x6d: {  	v20 =	vmul.f32 v20, v13;
	v21 =	vmul.f32 v21, v12;
	_ =	sdelay $0x1  }
0x6e: {  	v22 =	vmul.f32 v35, v14;
	v20 =	vadd.f32 v21, v20;
	_ =	sdelay $0x1  }
0x6f: {  	v36 =	vadd.s32 v5, v15;
	v20 =	vadd.f32 v22, v20  }
0x70: {  	v37 =	vadd.s32 $0x6, v17  }
0x71: {  	v38 =	vadd.s32 $0x6, v18;
	v20 =	vmul.f32 v20, v16;
	_ =	sdelay $0x1  }
0x72: {  	v39 =	vadd.s32 $0x6, v19;
	v20 =	vsel vm0, $0x0, v20  }
0x73: {  	[tilespmem:v36+s13+$0x0] =	vst.idx.msk $0xffff, v20  }
0x74: {  	v20 =	vld.idx.msk [tilespmem:v37+s2+$0x0], $0xffff  }
0x75: {  	v21 =	vld.idx.msk [tilespmem:v38+s2+$0x0], $0xffff;
	_ =	sdelay $0x1  }
0x76: {  	v40 =	vld.idx.msk [tilespmem:v39+s2+$0x0], $0xffff;
	_ =	sdelay $0x2  }
0x77: {  	v20 =	vmul.f32 v20, v13;
	v21 =	vmul.f32 v21, v12;
	_ =	sdelay $0x1  }
0x78: {  	v41 =	vmul.f32 v40, v14;
	v20 =	vadd.f32 v21, v20;
	_ =	sdelay $0x1  }
0x79: {  	v42 =	vadd.s32 v6, v15;
	v20 =	vadd.f32 v41, v20  }
0x7a: {  	v43 =	vadd.s32 $0x7, v17  }
0x7b: {  	v44 =	vadd.s32 $0x7, v18;
	v20 =	vmul.f32 v20, v16;
	_ =	sdelay $0x1  }
0x7c: {  	v45 =	vadd.s32 $0x7, v19;
	v20 =	vsel vm0, $0x0, v20  }
0x7d: {  	[tilespmem:v42+s13+$0x0] =	vst.idx.msk $0xffff, v20  }
0x7e: {  	v20 =	vld.idx.msk [tilespmem:v43+s2+$0x0], $0xffff  }
0x7f: {  	v21 =	vld.idx.msk [tilespmem:v44+s2+$0x0], $0xffff;
	_ =	sdelay $0x1  }
0x80: {  	v46 =	vld.idx.msk [tilespmem:v45+s2+$0x0], $0xffff;
	_ =	sdelay $0x2  }
0x81: {  	v20 =	vmul.f32 v20, v13;
	v21 =	vmul.f32 v21, v12;
	_ =	sdelay $0x1  }
0x82: {  	v47 =	vmul.f32 v46, v14;
	v20 =	vadd.f32 v21, v20;
	_ =	sdelay $0x1  }
0x83: {  	v48 =	vadd.s32 v7, v15;
	v20 =	vadd.f32 v47, v20  }
0x84: {  	v49 =	vadd.s32 $0x8, v17  }
0x85: {  	v50 =	vadd.s32 $0x8, v18;
	v20 =	vmul.f32 v20, v16;
	_ =	sdelay $0x1  }
0x86: {  	v51 =	vadd.s32 $0x8, v19;
	v20 =	vsel vm0, $0x0, v20  }
0x87: {  	[tilespmem:v48+s13+$0x0] =	vst.idx.msk $0xffff, v20  }
0x88: {  	v20 =	vld.idx.msk [tilespmem:v49+s2+$0x0], $0xffff  }
0x89: {  	v21 =	vld.idx.msk [tilespmem:v50+s2+$0x0], $0xffff;
	_ =	sdelay $0x1  }
0x8a: {  	v52 =	vld.idx.msk [tilespmem:v51+s2+$0x0], $0xffff;
	_ =	sdelay $0x2  }
0x8b: {  	v20 =	vmul.f32 v20, v13;
	v21 =	vmul.f32 v21, v12;
	_ =	sdelay $0x1  }
0x8c: {  	v22 =	vmul.f32 v52, v14;
	v20 =	vadd.f32 v21, v20;
	_ =	sdelay $0x1  }
0x8d: {  	v53 =	vadd.s32 v8, v15;
	v20 =	vadd.f32 v22, v20  }
0x8e: {  	v54 =	vadd.s32 $0x9, v17  }
0x8f: {  	v55 =	vadd.s32 $0x9, v18;
	v20 =	vmul.f32 v20, v16;
	_ =	sdelay $0x1  }
0x90: {  	v56 =	vadd.s32 $0x9, v19;
	v20 =	vsel vm0, $0x0, v20  }
0x91: {  	[tilespmem:v53+s13+$0x0] =	vst.idx.msk $0xffff, v20  }
0x92: {  	v20 =	vld.idx.msk [tilespmem:v54+s2+$0x0], $0xffff  }
0x93: {  	v21 =	vld.idx.msk [tilespmem:v55+s2+$0x0], $0xffff;
	_ =	sdelay $0x1  }
0x94: {  	v57 =	vld.idx.msk [tilespmem:v56+s2+$0x0], $0xffff;
	_ =	sdelay $0x2  }
0x95: {  	v20 =	vmul.f32 v20, v13;
	v21 =	vmul.f32 v21, v12;
	_ =	sdelay $0x1  }
0x96: {  	v22 =	vmul.f32 v57, v14;
	v20 =	vadd.f32 v21, v20;
	_ =	sdelay $0x1  }
0x97: {  	v58 =	vadd.s32 v9, v15;
	v20 =	vadd.f32 v22, v20  }
0x98: {  	v59 =	vadd.s32 $0xA, v17  }
0x99: {  	v60 =	vadd.s32 $0xA, v18;
	v20 =	vmul.f32 v20, v16;
	_ =	sdelay $0x1  }
0x9a: {  	v61 =	vadd.s32 $0xA, v19;
	v20 =	vsel vm0, $0x0, v20  }
0x9b: {  	[tilespmem:v58+s13+$0x0] =	vst.idx.msk $0xffff, v20  }
0x9c: {  	v20 =	vld.idx.msk [tilespmem:v59+s2+$0x0], $0xffff  }
0x9d: {  	v21 =	vld.idx.msk [tilespmem:v60+s2+$0x0], $0xffff;
	_ =	sdelay $0x1  }
0x9e: {  	v62 =	vld.idx.msk [tilespmem:v61+s2+$0x0], $0xffff;
	_ =	sdelay $0x2  }
0x9f: {  	v20 =	vmul.f32 v20, v13;
	v21 =	vmul.f32 v21, v12;
	_ =	sdelay $0x1  }
0xa0: {  	v22 =	vmul.f32 v62, v14;
	v20 =	vadd.f32 v21, v20;
	_ =	sdelay $0x1  }
0xa1: {  	v63 =	vadd.s32 v10, v15;
	v20 =	vadd.f32 v22, v20  }
0xa2: {  	v17 =	vadd.s32 $0xB, v17  }
0xa3: {  	v18 =	vadd.s32 $0xB, v18;
	v20 =	vmul.f32 v20, v16  }
0xa4: {  	v19 =	vadd.s32 $0xB, v19  }
0xa5: {  	v20 =	vsel vm0, $0x0, v20  }
0xa6: {  	[tilespmem:v63+s13+$0x0] =	vst.idx.msk $0xffff, v20  }
0xa7: {  	v17 =	vld.idx.msk [tilespmem:v17+s2+$0x0], $0xffff  }
0xa8: {  	s21 =	simm.s32 $0x10390;
	v18 =	vld.idx.msk [tilespmem:v18+s2+$0x0], $0xffff  }
0xa9: {  	s18 =	simm.s32 $0x10;
	s19 =	simm.s32 $0xF990;
	s20 =	simm.s32 $0xFE90;
	v19 =	vld.idx.msk [tilespmem:v19+s2+$0x0], $0xffff  }
.LBB2_2:
0xaa: {  	s15 =	sadd.s32 $0x10, s15;
	s16 =	sadd.s32 $0x10, s16;
	s17 =	sadd.s32 $0x10, s17  }
0xab: {  	p0 =	sne.s32 s18, $0x4F0;
	s22 =	smov.u32 s18;
	s18 =	sadd.s32 $0x10, s18  }
0xac: {  	v13 =	vmul.f32 v17, v13  }
0xad: {  	v12 =	vmul.f32 v18, v12  }
0xae: {  	v14 =	vmul.f32 v19, v14  }
0xaf: {  	v12 =	vadd.f32 v12, v13  }
0xb0: {  	v13 =	vadd.s32 v11, v15  }
0xb1: {  	v12 =	vadd.f32 v14, v12;
	_ =	sdelay $0x1  }
0xb2: {  	v12 =	vmul.f32 v12, v16;
	_ =	sdelay $0x1  }
0xb3: {  	v12 =	vsel vm0, $0x0, v12  }
0xb4: {  	[tilespmem:v13+s13+$0x0] =	vst.idx.msk $0xffff, v12  }
0xb5: {  	v12 =	vld [tilespmem:s20+$0x0]  }
0xb6: {  	v15 =	vld [tilespmem:s15+$0x0]  }
0xb7: {  	v16 =	vld [tilespmem:s16+$0x0]  }
0xb8: {  	v13 =	vld [tilespmem:s19+$0x0]  }
0xb9: {  	v19 =	vld [tilespmem:s17+$0x0]  }
0xba: {  	v14 =	vld [tilespmem:s21+$0x0]  }
0xbb: {  	v17 =	vmul.u32 $0xC, v15  }
0xbc: {  	v18 =	vmul.u32 $0xC, v16  }
0xbd: {  	v15 =	vadd.f32 v12, v13  }
0xbe: {  	v19 =	vmul.u32 $0xC, v19  }
0xbf: {  	v15 =	vadd.f32 v14, v15;
	_ =	sdelay $0x1  }
0xc0: {  	v16 =	vld.idx.msk [tilespmem:v17+s2+$0x0], $0xffff  }
0xc1: {  	vm0 =	veq.f32 v15, $0.0e+00;
	v20 =	vld.idx.msk [tilespmem:v18+s2+$0x0], $0xffff  }
0xc2: {  	v15 =	vsel vm0, $0x3F800000, v15  }
0xc3: {  	v21 =	vld.idx.msk [tilespmem:v19+s2+$0x0], $0xffff;
	(erf) = vrcp.f32 v15;
	_ =	sdelay $0x2  }
0xc4: {  	v15 =	vmov s22  }
0xc5: {  	v15 =	vmul.u32 $0xC, v15;
	v16 =	vmul.f32 v16, v13;
	v20 =	vmul.f32 v20, v12;
	_ =	sdelay $0x1  }
0xc6: {  	v15 =	vbroadcast v15, $0x0;
	v24 =	vadd.f32 v20, v16;
	v20 =	vmul.f32 v21, v14;
	_ =	sdelay $0x1  }
0xc7: {  	v21 =	vadd.s32 v0, v15;
	v20 =	vadd.f32 v20, v24  }
0xc8: {  	v22 =	vor.u32 $0x1, v17;
	v23 =	vor.u32 $0x1, v18;
	v16 =	vpop (erf)  }
0xc9: {  	v20 =	vmul.f32 v20, v16  }
0xca: {  	v24 =	vor.u32 $0x1, v19  }
0xcb: {  	v20 =	vsel vm0, $0x0, v20  }
0xcc: {  	[tilespmem:v21+s13+$0x0] =	vst.idx.msk $0xffff, v20  }
0xcd: {  	v20 =	vld.idx.msk [tilespmem:v22+s2+$0x0], $0xffff  }
0xce: {  	v21 =	vld.idx.msk [tilespmem:v23+s2+$0x0], $0xffff  }
0xcf: {  	v22 =	vld.idx.msk [tilespmem:v24+s2+$0x0], $0xffff;
	_ =	sdelay $0x3  }
0xd0: {  	v20 =	vmul.f32 v20, v13  }
0xd1: {  	v21 =	vmul.f32 v21, v12  }
0xd2: {  	v22 =	vmul.f32 v22, v14  }
0xd3: {  	v20 =	vadd.f32 v21, v20  }
0xd4: {  	v21 =	vadd.s32 v1, v15  }
0xd5: {  	v20 =	vadd.f32 v22, v20  }
0xd6: {  	v22 =	vor.u32 $0x2, v19  }
0xd7: {  	v23 =	vor.u32 $0x2, v17;
	v20 =	vmul.f32 v20, v16  }
0xd8: {  	v24 =	vor.u32 $0x2, v18  }
0xd9: {  	v20 =	vsel vm0, $0x0, v20  }
0xda: {  	[tilespmem:v21+s13+$0x0] =	vst.idx.msk $0xffff, v20  }
0xdb: {  	v20 =	vld.idx.msk [tilespmem:v22+s2+$0x0], $0xffff  }
0xdc: {  	v21 =	vld.idx.msk [tilespmem:v23+s2+$0x0], $0xffff  }
0xdd: {  	v22 =	vld.idx.msk [tilespmem:v24+s2+$0x0], $0xffff;
	_ =	sdelay $0x4  }
0xde: {  	v20 =	vmul.f32 v20, v14;
	v21 =	vmul.f32 v21, v13  }
0xdf: {  	v22 =	vmul.f32 v22, v12;
	_ =	sdelay $0x1  }
0xe0: {  	v21 =	vadd.f32 v22, v21;
	_ =	sdelay $0x1  }
0xe1: {  	v20 =	vadd.f32 v20, v21;
	v21 =	vadd.s32 v2, v15  }
0xe2: {  	v22 =	vor.u32 $0x3, v17  }
0xe3: {  	v23 =	vor.u32 $0x3, v18;
	v20 =	vmul.f32 v20, v16;
	_ =	sdelay $0x1  }
0xe4: {  	v24 =	vor.u32 $0x3, v19;
	v20 =	vsel vm0, $0x0, v20  }
0xe5: {  	[tilespmem:v21+s13+$0x0] =	vst.idx.msk $0xffff, v20  }
0xe6: {  	v20 =	vld.idx.msk [tilespmem:v22+s2+$0x0], $0xffff  }
0xe7: {  	v21 =	vld.idx.msk [tilespmem:v23+s2+$0x0], $0xffff;
	_ =	sdelay $0x1  }
0xe8: {  	v22 =	vld.idx.msk [tilespmem:v24+s2+$0x0], $0xffff;
	_ =	sdelay $0x2  }
0xe9: {  	v20 =	vmul.f32 v20, v13  }
0xea: {  	v21 =	vmul.f32 v21, v12;
	_ =	sdelay $0x1  }
0xeb: {  	v20 =	vadd.f32 v21, v20;
	v21 =	vmul.f32 v22, v14;
	_ =	sdelay $0x1  }
0xec: {  	v20 =	vadd.f32 v21, v20;
	v21 =	vadd.s32 v3, v15  }
0xed: {  	v22 =	vadd.s32 $0x4, v17  }
0xee: {  	v23 =	vadd.s32 $0x4, v18;
	v20 =	vmul.f32 v20, v16  }
0xef: {  	v24 =	vadd.s32 $0x4, v19  }
0xf0: {  	v20 =	vsel vm0, $0x0, v20  }
0xf1: {  	[tilespmem:v21+s13+$0x0] =	vst.idx.msk $0xffff, v20  }
0xf2: {  	v20 =	vld.idx.msk [tilespmem:v22+s2+$0x0], $0xffff  }
0xf3: {  	v21 =	vld.idx.msk [tilespmem:v23+s2+$0x0], $0xffff  }
0xf4: {  	v22 =	vld.idx.msk [tilespmem:v24+s2+$0x0], $0xffff;
	_ =	sdelay $0x3  }
0xf5: {  	v20 =	vmul.f32 v20, v13  }
0xf6: {  	v21 =	vmul.f32 v21, v12  }
0xf7: {  	v22 =	vmul.f32 v22, v14  }
0xf8: {  	v20 =	vadd.f32 v21, v20;
	_ =	sdelay $0x1  }
0xf9: {  	v21 =	vadd.s32 v4, v15;
	v20 =	vadd.f32 v22, v20  }
0xfa: {  	v22 =	vadd.s32 $0x5, v17  }
0xfb: {  	v23 =	vadd.s32 $0x5, v18;
	v20 =	vmul.f32 v20, v16  }
0xfc: {  	v24 =	vadd.s32 $0x5, v19  }
0xfd: {  	v20 =	vsel vm0, $0x0, v20  }
0xfe: {  	[tilespmem:v21+s13+$0x0] =	vst.idx.msk $0xffff, v20  }
0xff: {  	v20 =	vld.idx.msk [tilespmem:v22+s2+$0x0], $0xffff  }
0x100: {  	v21 =	vld.idx.msk [tilespmem:v23+s2+$0x0], $0xffff  }
0x101: {  	v22 =	vld.idx.msk [tilespmem:v24+s2+$0x0], $0xffff;
	_ =	sdelay $0x3  }
0x102: {  	v20 =	vmul.f32 v20, v13  }
0x103: {  	v21 =	vmul.f32 v21, v12  }
0x104: {  	v22 =	vmul.f32 v22, v14  }
0x105: {  	v20 =	vadd.f32 v21, v20;
	_ =	sdelay $0x1  }
0x106: {  	v21 =	vadd.s32 v5, v15;
	v20 =	vadd.f32 v22, v20  }
0x107: {  	v22 =	vadd.s32 $0x6, v17  }
0x108: {  	v23 =	vadd.s32 $0x6, v18;
	v20 =	vmul.f32 v20, v16;
	_ =	sdelay $0x1  }
0x109: {  	v24 =	vadd.s32 $0x6, v19;
	v20 =	vsel vm0, $0x0, v20  }
0x10a: {  	[tilespmem:v21+s13+$0x0] =	vst.idx.msk $0xffff, v20  }
0x10b: {  	v20 =	vld.idx.msk [tilespmem:v22+s2+$0x0], $0xffff  }
0x10c: {  	v21 =	vld.idx.msk [tilespmem:v23+s2+$0x0], $0xffff;
	_ =	sdelay $0x1  }
0x10d: {  	v22 =	vld.idx.msk [tilespmem:v24+s2+$0x0], $0xffff;
	_ =	sdelay $0x2  }
0x10e: {  	v20 =	vmul.f32 v20, v13  }
0x10f: {  	v21 =	vmul.f32 v21, v12;
	_ =	sdelay $0x1  }
0x110: {  	v20 =	vadd.f32 v21, v20;
	v21 =	vmul.f32 v22, v14;
	_ =	sdelay $0x1  }
0x111: {  	v20 =	vadd.f32 v21, v20;
	v21 =	vadd.s32 v6, v15  }
0x112: {  	v22 =	vadd.s32 $0x7, v17  }
0x113: {  	v23 =	vadd.s32 $0x7, v18;
	v20 =	vmul.f32 v20, v16  }
0x114: {  	v24 =	vadd.s32 $0x7, v19  }
0x115: {  	v20 =	vsel vm0, $0x0, v20  }
0x116: {  	[tilespmem:v21+s13+$0x0] =	vst.idx.msk $0xffff, v20  }
0x117: {  	v20 =	vld.idx.msk [tilespmem:v22+s2+$0x0], $0xffff  }
0x118: {  	v21 =	vld.idx.msk [tilespmem:v23+s2+$0x0], $0xffff  }
0x119: {  	v22 =	vld.idx.msk [tilespmem:v24+s2+$0x0], $0xffff;
	_ =	sdelay $0x3  }
0x11a: {  	v20 =	vmul.f32 v20, v13  }
0x11b: {  	v21 =	vmul.f32 v21, v12;
	_ =	sdelay $0x1  }
0x11c: {  	v20 =	vadd.f32 v21, v20;
	v21 =	vmul.f32 v22, v14;
	_ =	sdelay $0x1  }
0x11d: {  	v20 =	vadd.f32 v21, v20;
	v21 =	vadd.s32 v7, v15  }
0x11e: {  	v22 =	vadd.s32 $0x8, v17  }
0x11f: {  	v23 =	vadd.s32 $0x8, v18;
	v20 =	vmul.f32 v20, v16  }
0x120: {  	v24 =	vadd.s32 $0x8, v19  }
0x121: {  	v20 =	vsel vm0, $0x0, v20  }
0x122: {  	[tilespmem:v21+s13+$0x0] =	vst.idx.msk $0xffff, v20  }
0x123: {  	v20 =	vld.idx.msk [tilespmem:v22+s2+$0x0], $0xffff  }
0x124: {  	v21 =	vld.idx.msk [tilespmem:v23+s2+$0x0], $0xffff  }
0x125: {  	v22 =	vld.idx.msk [tilespmem:v24+s2+$0x0], $0xffff;
	_ =	sdelay $0x3  }
0x126: {  	v20 =	vmul.f32 v20, v13  }
0x127: {  	v21 =	vmul.f32 v21, v12  }
0x128: {  	v22 =	vmul.f32 v22, v14  }
0x129: {  	v20 =	vadd.f32 v21, v20;
	_ =	sdelay $0x1  }
0x12a: {  	v21 =	vadd.s32 v8, v15;
	v20 =	vadd.f32 v22, v20  }
0x12b: {  	v22 =	vadd.s32 $0x9, v17  }
0x12c: {  	v23 =	vadd.s32 $0x9, v18;
	v20 =	vmul.f32 v20, v16  }
0x12d: {  	v24 =	vadd.s32 $0x9, v19  }
0x12e: {  	v20 =	vsel vm0, $0x0, v20  }
0x12f: {  	[tilespmem:v21+s13+$0x0] =	vst.idx.msk $0xffff, v20  }
0x130: {  	v20 =	vld.idx.msk [tilespmem:v22+s2+$0x0], $0xffff  }
0x131: {  	v21 =	vld.idx.msk [tilespmem:v23+s2+$0x0], $0xffff  }
0x132: {  	v22 =	vld.idx.msk [tilespmem:v24+s2+$0x0], $0xffff;
	_ =	sdelay $0x3  }
0x133: {  	v20 =	vmul.f32 v20, v13  }
0x134: {  	v21 =	vmul.f32 v21, v12  }
0x135: {  	v22 =	vmul.f32 v22, v14  }
0x136: {  	v20 =	vadd.f32 v21, v20;
	_ =	sdelay $0x1  }
0x137: {  	v21 =	vadd.s32 v9, v15;
	v20 =	vadd.f32 v22, v20  }
0x138: {  	v22 =	vadd.s32 $0xA, v17  }
0x139: {  	v23 =	vadd.s32 $0xA, v18;
	v20 =	vmul.f32 v20, v16  }
0x13a: {  	v24 =	vadd.s32 $0xA, v19  }
0x13b: {  	v20 =	vsel vm0, $0x0, v20  }
0x13c: {  	[tilespmem:v21+s13+$0x0] =	vst.idx.msk $0xffff, v20  }
0x13d: {  	v20 =	vld.idx.msk [tilespmem:v22+s2+$0x0], $0xffff  }
0x13e: {  	v21 =	vld.idx.msk [tilespmem:v23+s2+$0x0], $0xffff  }
0x13f: {  	v22 =	vld.idx.msk [tilespmem:v24+s2+$0x0], $0xffff;
	_ =	sdelay $0x3  }
0x140: {  	v20 =	vmul.f32 v20, v13  }
0x141: {  	v21 =	vmul.f32 v21, v12  }
0x142: {  	v22 =	vmul.f32 v22, v14  }
0x143: {  	v20 =	vadd.f32 v21, v20;
	_ =	sdelay $0x1  }
0x144: {  	v21 =	vadd.s32 v10, v15;
	v20 =	vadd.f32 v22, v20  }
0x145: {  	v18 =	vadd.s32 $0xB, v18;
	v17 =	vadd.s32 $0xB, v17  }
0x146: {  	v20 =	vmul.f32 v20, v16  }
0x147: {  	v19 =	vadd.s32 $0xB, v19  }
0x148: {  	v20 =	vsel vm0, $0x0, v20  }
.Ltmp0:
0x149: {  	[tilespmem:v21+s13+$0x0] =	vst.idx.msk $0xffff, v20;
	(pc) =	sbr.rel @p0 .LBB2_2-.Ltmp0, $4  }
0x14a: {  	v17 =	vld.idx.msk [tilespmem:v17+s2+$0x0], $0xffff  }
0x14b: {  	v18 =	vld.idx.msk [tilespmem:v18+s2+$0x0], $0xffff  }
0x14c: {  	v19 =	vld.idx.msk [tilespmem:v19+s2+$0x0], $0xffff  }
0x14d: {  	s20 =	sadd.s32 $0x10, s20;
	s19 =	sadd.s32 $0x10, s19;
	s21 =	sadd.s32 $0x10, s21  }
0x14e: {  	_ =	sdelay $0x1  }
0x14f: {  	v13 =	vmul.f32 v17, v13;
	v12 =	vmul.f32 v18, v12;
	_ =	sdelay $0x1  }
0x150: {  	v14 =	vmul.f32 v19, v14;
	v12 =	vadd.f32 v12, v13;
	_ =	sdelay $0x1  }
0x151: {  	v63 =	vadd.s32 v11, v15;
	v12 =	vadd.f32 v14, v12;
	_ =	sdelay $0x1  }
0x152: {  	v12 =	vmul.f32 v12, v16  }
0x153: {  	s14 =	sadd.s32 $0x1, s14  }
0x154: {  	p0 =	sne.s32 s14, s11;
	v12 =	vsel vm0, $0x0, v12  }
.Ltmp1:
0x155: {  	[tilespmem:v63+s13+$0x0] =	vst.idx.msk $0xffff, v12;
	(pc) =	sbr.rel @p0 .LBB2_1-.Ltmp1, $4  }
0x156: {  	[hbm4b:s10+s2] =	stream.linear.scatter [tilespmem:s13], [sflag:$0x1], $0x3C00, $0x38;
	[tilespmem:$0x14480] =	vst v63  }
0x157: {  	_ =	swait.ge [sflag:s12], $0x3C00  }
0x158: {  	[sflag:s12] =	ssyncset.done $0x0  }
0x159: {  	[sflag:s12] =	ssyncadd.s32 $0xFFFFC400  }
0x15a: {  	_ =	sfence.sel $0x180000  }
0x15b: {  	[bflag:$0x0] =	sbarrier.arrive $0xFFFF  }
0x15c: {  	p0 =	sne.s32 s0, $0x0;
	_ =	strace $0x90000047  }
0x15d: {  	s0 =	sadd.s32 @!p0 $0x100000, s1;
	[bflag:$0x2] =	sbarrier.arrive $0xFFFF  }
0x15e: {  	[sflag:s0] =	ssyncadd.tile.s32 @!p0 $0x1;
	_ =	shalt  }
.Lfunc_end2:
_tile_overlayer_lowered:
.L_overlay_start_2:
0x15f: {  	(tag) =	ssettag $0x2  }
0x160: {  	s0 =	rddreg [dreg:$0x0];
	s2 =	stileid.u32  }
0x161: {  	s1 =	rddreg [dreg:$0x1];
	p0 =	sne.s32 s2, $0x0  }
0x162: {  	s3 =	rddreg [dreg:$0x2];
	[bflag:$0x3] =	sbarrier.arrive $0xFFFF;
	s2 =	simm.s32 @!p0 $0x1C01  }
0x163: {  	[timem:s3], [sflag:s2] =	dma.local @!p0 [hbm:s0], s1  }
0x164: {  	s0 =	simm.s32 @!p0 $0x1  }
0x165: {  	_ =	swait.ge @!p0 [sflag:s0], s1  }
0x166: {  	s1 =	ssub.s32 @!p0 $0x0, s1;
	[sflag:s0] =	ssyncset.done @!p0 $0x0  }
0x167: {  	[sflag:s0] =	ssyncadd.s32 @!p0 s1  }
0x168: {  	[bflag:$0x3] =	sbarrier.arrive $0xFFFF  }
0x169: {  	_ =	shalt  }

</sc_bundles>
